<compile_context>
chip_gen: v7x
topology: tpu7x:2x2x1
jax: 0.10.2.dev20260603
libtpu: 0.0.44.dev20260713+nightly
codegen_flags: <defaults>
</compile_context>

<pallas_src>
import functools

import jax
import jax.numpy as jnp
from jax import lax
from jax.experimental import pallas as pl
from jax.experimental.pallas import tpu as pltpu
from jax.experimental.pallas import tpu_sc as plsc

NC = 2
NS = 16
NW = NC * NS

NP = 10240
ZROWS = NP // NS



def _make_deg_kernel(E, K):
    nchunk = E // (NW * K)
    mesh = plsc.VectorSubcoreMesh(
        core_axis_name="c", subcore_axis_name="s", num_cores=NC)

    @functools.partial(
        pl.kernel, mesh=mesh,
        out_type=jax.ShapeDtypeStruct((NC, NP), jnp.float32),
        scratch_types=[
            pltpu.VMEM((nchunk, K), jnp.int32),
            pltpu.VMEM((K,), jnp.float32),
            pltpu.VMEM_SHARED((NP,), jnp.float32),
            pltpu.SemaphoreType.DMA,
        ],
    )
    def deg_kernel(dst_hbm, ones_hbm, zeros_hbm, out_hbm,
                   dst_v, ones_v, acc_sh, ssem):
        cid = lax.axis_index("c")
        sid = lax.axis_index("s")
        wid = sid * NC + cid
        pltpu.sync_copy(zeros_hbm, acc_sh.at[pl.ds(sid * ZROWS, ZROWS)])
        pltpu.sync_copy(ones_hbm, ones_v)
        pltpu.sync_copy(dst_hbm.at[wid], dst_v)
        plsc.subcore_barrier()

        def body(j, carry):
            pltpu.async_copy(ones_v, acc_sh.at[dst_v.at[j]], ssem, add=True)
            return carry

        lax.fori_loop(0, nchunk, body, 0)

        def drain(j, carry):
            pltpu.make_async_copy(ones_v, acc_sh.at[dst_v.at[j]], ssem).wait()
            return carry

        lax.fori_loop(0, nchunk, drain, 0)
        plsc.subcore_barrier()
        pltpu.sync_copy(acc_sh.at[pl.ds(sid * ZROWS, ZROWS)],
                        out_hbm.at[cid, pl.ds(sid * ZROWS, ZROWS)])

    return deg_kernel


def _make_scatter_kernel(E, C, K, NBUF):
    nchunk = E // (NW * K)
    mesh = plsc.VectorSubcoreMesh(
        core_axis_name="c", subcore_axis_name="s", num_cores=NC)

    @functools.partial(
        pl.kernel, mesh=mesh,
        out_type=jax.ShapeDtypeStruct((NC, NP, C), jnp.float32),
        scratch_types=(
            [pltpu.VMEM((nchunk * K,), jnp.int32)] * 2
            + [pltpu.VMEM((K, C), jnp.float32)] * NBUF
            + [pltpu.VMEM_SHARED((NP, C), jnp.float32)]
            + [pltpu.SemaphoreType.DMA] * NBUF
        ),
    )
    def scatter_kernel(src_hbm, dst_hbm, y_hbm, zeros_hbm, out_hbm,
                       src_v, dst_v, *rest):
        rows = rest[:NBUF]
        acc_sh = rest[NBUF]
        sems = rest[NBUF + 1:]
        cid = lax.axis_index("c")
        sid = lax.axis_index("s")
        wid = sid * NC + cid
        pltpu.sync_copy(zeros_hbm, acc_sh.at[pl.ds(sid * ZROWS, ZROWS)])
        pltpu.sync_copy(src_hbm.at[wid], src_v)
        pltpu.sync_copy(dst_hbm.at[wid], dst_v)
        plsc.subcore_barrier()

        for b in range(NBUF):
            pltpu.async_copy(
                y_hbm.at[src_v.at[pl.ds(b * K, K)]], rows[b], sems[b])

        def body(g, carry):
            for b in range(NBUF):
                j = g * NBUF + b
                pltpu.make_async_copy(
                    y_hbm.at[src_v.at[pl.ds(j * K, K)]],
                    rows[b], sems[b]).wait()
                pltpu.sync_copy(
                    rows[b], acc_sh.at[dst_v.at[pl.ds(j * K, K)]], add=True)

                @pl.when(j + NBUF < nchunk)
                def _():
                    pltpu.async_copy(
                        y_hbm.at[src_v.at[pl.ds((j + NBUF) * K, K)]],
                        rows[b], sems[b])
            return carry

        lax.fori_loop(0, nchunk // NBUF, body, 0)

        for j in range((nchunk // NBUF) * NBUF, nchunk):
            b = j % NBUF
            pltpu.make_async_copy(
                y_hbm.at[src_v.at[pl.ds(j * K, K)]], rows[b], sems[b]).wait()
            pltpu.sync_copy(
                rows[b], acc_sh.at[dst_v.at[pl.ds(j * K, K)]], add=True)

        plsc.subcore_barrier()
        pltpu.sync_copy(acc_sh.at[pl.ds(sid * ZROWS, ZROWS)],
                        out_hbm.at[cid, pl.ds(sid * ZROWS, ZROWS)])

    return scatter_kernel



def _mm_scale_body(h_ref, w_ref, c0_ref, c1_ref, y_ref):
    deg = 1.0 + c0_ref[...] + c1_ref[...]
    dinv = lax.rsqrt(deg)
    xw = jnp.dot(h_ref[...], w_ref[...], preferred_element_type=jnp.float32)
    y_ref[...] = xw * dinv


def _finish_body(a0_ref, a1_ref, y_ref, c0_ref, c1_ref, b_ref, o_ref):
    deg = 1.0 + c0_ref[...] + c1_ref[...]
    dinv = lax.rsqrt(deg)
    acc = a0_ref[...] + a1_ref[...] + y_ref[...]
    o_ref[...] = jnp.maximum(acc * dinv + b_ref[...], 0.0)



def kernel(h, edges, W, b):
    N, C_IN = h.shape
    C = W.shape[1]
    E = edges.shape[1]
    K = 40
    NBUF = 5
    KD = 80
    assert E % (NW * K) == 0 and E % (NW * KD) == 0

    nchunk = E // (NW * K)
    src = edges[0].reshape(NW, nchunk * K)
    dst = edges[1].reshape(NW, nchunk * K)
    dstd = edges[1].reshape(NW, E // (NW * KD), KD)
    ones_k = jnp.ones((KD,), jnp.float32)
    zeros_1d = jnp.zeros((ZROWS,), jnp.float32)
    zeros_2d = jnp.zeros((ZROWS, C), jnp.float32)

    cnt = _make_deg_kernel(E, KD)(dstd, ones_k, zeros_1d)

    BR = 2000
    grid = (N // BR,)
    c0 = cnt[0].reshape(NP, 1)
    c1 = cnt[1].reshape(NP, 1)
    y = pl.pallas_call(
        _mm_scale_body,
        grid=grid,
        in_specs=[
            pl.BlockSpec((BR, C_IN), lambda i: (i, 0)),
            pl.BlockSpec((C_IN, C), lambda i: (0, 0)),
            pl.BlockSpec((BR, 1), lambda i: (i, 0)),
            pl.BlockSpec((BR, 1), lambda i: (i, 0)),
        ],
        out_specs=pl.BlockSpec((BR, C), lambda i: (i, 0)),
        out_shape=jax.ShapeDtypeStruct((N, C), jnp.float32),
    )(h, W, c0, c1)

    acc = _make_scatter_kernel(E, C, K, NBUF)(src, dst, y, zeros_2d)

    out = pl.pallas_call(
        _finish_body,
        grid=grid,
        in_specs=[
            pl.BlockSpec((BR, C), lambda i: (i, 0)),
            pl.BlockSpec((BR, C), lambda i: (i, 0)),
            pl.BlockSpec((BR, C), lambda i: (i, 0)),
            pl.BlockSpec((BR, 1), lambda i: (i, 0)),
            pl.BlockSpec((BR, 1), lambda i: (i, 0)),
            pl.BlockSpec((1, C), lambda i: (0, 0)),
        ],
        out_specs=pl.BlockSpec((BR, C), lambda i: (i, 0)),
        out_shape=jax.ShapeDtypeStruct((N, C), jnp.float32),
    )(acc[0], acc[1], y, c0, c1, b.reshape(1, C))
    return out

# --- scband reference (transcript-rebuilt; emitter-appended) ---
"""Pipeline reference for scband-gcndecoder-30700426232009 (READ-ONLY COPY).

The authoritative reference and input builder live on the scoring server;
editing this copy changes nothing except your own understanding.
"""

import jax, jax.numpy as jnp
import numpy as np

N = 10000
E = 320000
C_IN = 128
C_OUT = 128

def setup_inputs(seed: int = 0) -> dict:
    key = jax.random.key(seed)
    k1, k2, k3 = jax.random.split(key, 3)
    h = jax.random.normal(k1, (N, C_IN), dtype=jnp.float32)
    edges = jax.random.randint(k2, (2, E), 0, N, dtype=jnp.int32)
    # GCNConv learned params (glorot-ish init for W, zeros for bias)
    W = jax.random.normal(k3, (C_IN, C_OUT), dtype=jnp.float32) * (1.0 / np.sqrt(C_IN))
    b = jnp.zeros((C_OUT,), dtype=jnp.float32)
    return {"h": h, "edges": edges, "W": W, "b": b}

def _gcn_conv(h, edges, W, b):
    # PyG GCNConv: out = D^{-1/2} (A + I) D^{-1/2} (h @ W) + b
    n = h.shape[0]
    src = edges[0]
    dst = edges[1]
    loop = jnp.arange(n, dtype=src.dtype)
    src = jnp.concatenate([src, loop])
    dst = jnp.concatenate([dst, loop])
    ones = jnp.ones(src.shape[0], dtype=h.dtype)
    deg = jax.ops.segment_sum(ones, dst, num_segments=n)
    deg_inv_sqrt = jnp.where(deg > 0, jax.lax.rsqrt(jnp.maximum(deg, 1e-12)), 0.0)
    norm = deg_inv_sqrt[src] * deg_inv_sqrt[dst]
    xw = h @ W
    msg = xw[src] * norm[:, None]
    out = jax.ops.segment_sum(msg, dst, num_segments=n)
    return out + b

def reference(h, edges, W, b):
    # Dropout is identity in eval mode (deterministic reference)
    out = _gcn_conv(h, edges, W, b)
    return jax.nn.relu(out)

if __name__ == "__main__":
    import jax
    _d = setup_inputs()
    print(jax.jit(kernel)(*tuple(_d.values())))

</pallas_src>

<mosaic_0001>
#map = affine_map<(d0, d1) -> (0, 0)>
#map1 = affine_map<(d0, d1) -> (0, 0, 0)>
module attributes {stable_mosaic.version = 14 : i64} {
  func.func @scatter_kernel(%arg0: i32, %arg1: i32, %arg2: memref<32x10000xi32, #tpu.memory_space<hbm>>, %arg3: memref<32x10000xi32, #tpu.memory_space<hbm>>, %arg4: memref<10000x128xf32, #tpu.memory_space<hbm>>, %arg5: memref<640x128xf32, #tpu.memory_space<hbm>>, %arg6: memref<2x10240x128xf32, #tpu.memory_space<hbm>>, %arg7: memref<10000xi32, #tpu.memory_space<vmem>>, %arg8: memref<10000xi32, #tpu.memory_space<vmem>>, %arg9: memref<40x128xf32, #tpu.memory_space<vmem>>, %arg10: memref<40x128xf32, #tpu.memory_space<vmem>>, %arg11: memref<40x128xf32, #tpu.memory_space<vmem>>, %arg12: memref<40x128xf32, #tpu.memory_space<vmem>>, %arg13: memref<40x128xf32, #tpu.memory_space<vmem>>, %arg14: memref<10240x128xf32, #tpu.memory_space<vmem_shared>>, %arg15: memref<!tpu.dma_semaphore, #tpu.memory_space<semaphore_mem>>, %arg16: memref<!tpu.dma_semaphore, #tpu.memory_space<semaphore_mem>>, %arg17: memref<!tpu.dma_semaphore, #tpu.memory_space<semaphore_mem>>, %arg18: memref<!tpu.dma_semaphore, #tpu.memory_space<semaphore_mem>>, %arg19: memref<!tpu.dma_semaphore, #tpu.memory_space<semaphore_mem>>) attributes {dimension_semantics = [#tpu.dimension_semantics<core_parallel>, #tpu.dimension_semantics<subcore_parallel>], iteration_bounds = array<i64: 2, 16>, scalar_prefetch = 0 : i64, scratch_operands = 13 : i64, tpu.core_type = #tpu.core_type<sc_vector_subcore>, window_params = [{transform_indices = #map}, {transform_indices = #map}, {transform_indices = #map}, {transform_indices = #map}, {transform_indices = #map1}]} {
    %mul3A = arith.constant 2 : i32
    %mul3A_0 = arith.muli %arg1, %mul3A : i32
    %add3A = arith.addi %mul3A_0, %arg0 : i32
    %mul3A_1 = arith.constant 640 : i32
    %mul3A_2 = arith.muli %arg1, %mul3A_1 : i32
    "tpu.region"() ({
      %run_scoped3A = tpu.sem_alloc : memref<!tpu.dma_semaphore, #tpu.memory_space<semaphore_mem>>
      %dma_start3A_37 = arith.constant 0 : i32
      %dma_start3A_38 = tpu.memref_slice %arg14[%mul3A_2, %dma_start3A_37] : memref<10240x128xf32, #tpu.memory_space<vmem_shared>> -> memref<640x128xf32, #tpu.memory_space<vmem_shared>>
      tpu.enqueue_dma source(%arg5 : memref<640x128xf32, #tpu.memory_space<hbm>>) target(%dma_start3A_38 : memref<640x128xf32, #tpu.memory_space<vmem_shared>>) target_semaphore(%run_scoped3A : memref<!tpu.dma_semaphore, #tpu.memory_space<semaphore_mem>>)
      %dma_wait3A = arith.constant 0 : i32
      %dma_wait3A_39 = tpu.memref_slice %arg14[%mul3A_2, %dma_wait3A] : memref<10240x128xf32, #tpu.memory_space<vmem_shared>> -> memref<640x128xf32, #tpu.memory_space<vmem_shared>>
      tpu.wait_dma2 semaphore(%run_scoped3A : memref<!tpu.dma_semaphore, #tpu.memory_space<semaphore_mem>>) src(%arg5 : memref<640x128xf32, #tpu.memory_space<hbm>>) dst(%dma_wait3A_39 : memref<640x128xf32, #tpu.memory_space<vmem_shared>>)
      tpu.yield
    }) : () -> ()
    "tpu.region"() ({
      %run_scoped3A = tpu.sem_alloc : memref<!tpu.dma_semaphore, #tpu.memory_space<semaphore_mem>>
      %dma_start3A_37 = arith.constant 0 : i32
      %dma_start3A_38 = tpu.memref_slice %arg2[%add3A, %dma_start3A_37] : memref<32x10000xi32, #tpu.memory_space<hbm>> -> memref<1x10000xi32, #tpu.memory_space<hbm>>
      %dma_start3A_39 = tpu.memref_squeeze %dma_start3A_38 : memref<1x10000xi32, #tpu.memory_space<hbm>> -> memref<10000xi32, #tpu.memory_space<hbm>>
      %dma_start3A_40 = arith.constant 0 : i32
      %dma_start3A_41 = tpu.memref_slice %arg2[%add3A, %dma_start3A_40] : memref<32x10000xi32, #tpu.memory_space<hbm>> -> memref<1x10000xi32, #tpu.memory_space<hbm>>
      %dma_start3A_42 = tpu.memref_squeeze %dma_start3A_41 : memref<1x10000xi32, #tpu.memory_space<hbm>> -> memref<10000xi32, #tpu.memory_space<hbm>>
      tpu.enqueue_dma source(%dma_start3A_42 : memref<10000xi32, #tpu.memory_space<hbm>>) target(%arg7 : memref<10000xi32, #tpu.memory_space<vmem>>) target_semaphore(%run_scoped3A : memref<!tpu.dma_semaphore, #tpu.memory_space<semaphore_mem>>)
      %dma_wait3A = arith.constant 0 : i32
      %dma_wait3A_43 = tpu.memref_slice %arg2[%add3A, %dma_wait3A] : memref<32x10000xi32, #tpu.memory_space<hbm>> -> memref<1x10000xi32, #tpu.memory_space<hbm>>
      %dma_wait3A_44 = tpu.memref_squeeze %dma_wait3A_43 : memref<1x10000xi32, #tpu.memory_space<hbm>> -> memref<10000xi32, #tpu.memory_space<hbm>>
      %dma_wait3A_45 = arith.constant 0 : i32
      %dma_wait3A_46 = tpu.memref_slice %arg2[%add3A, %dma_wait3A_45] : memref<32x10000xi32, #tpu.memory_space<hbm>> -> memref<1x10000xi32, #tpu.memory_space<hbm>>
      %dma_wait3A_47 = tpu.memref_squeeze %dma_wait3A_46 : memref<1x10000xi32, #tpu.memory_space<hbm>> -> memref<10000xi32, #tpu.memory_space<hbm>>
      tpu.wait_dma2 semaphore(%run_scoped3A : memref<!tpu.dma_semaphore, #tpu.memory_space<semaphore_mem>>) src(%dma_wait3A_47 : memref<10000xi32, #tpu.memory_space<hbm>>) dst(%arg7 : memref<10000xi32, #tpu.memory_space<vmem>>)
      tpu.yield
    }) : () -> ()
    "tpu.region"() ({
      %run_scoped3A = tpu.sem_alloc : memref<!tpu.dma_semaphore, #tpu.memory_space<semaphore_mem>>
      %dma_start3A_37 = arith.constant 0 : i32
      %dma_start3A_38 = tpu.memref_slice %arg3[%add3A, %dma_start3A_37] : memref<32x10000xi32, #tpu.memory_space<hbm>> -> memref<1x10000xi32, #tpu.memory_space<hbm>>
      %dma_start3A_39 = tpu.memref_squeeze %dma_start3A_38 : memref<1x10000xi32, #tpu.memory_space<hbm>> -> memref<10000xi32, #tpu.memory_space<hbm>>
      %dma_start3A_40 = arith.constant 0 : i32
      %dma_start3A_41 = tpu.memref_slice %arg3[%add3A, %dma_start3A_40] : memref<32x10000xi32, #tpu.memory_space<hbm>> -> memref<1x10000xi32, #tpu.memory_space<hbm>>
      %dma_start3A_42 = tpu.memref_squeeze %dma_start3A_41 : memref<1x10000xi32, #tpu.memory_space<hbm>> -> memref<10000xi32, #tpu.memory_space<hbm>>
      tpu.enqueue_dma source(%dma_start3A_42 : memref<10000xi32, #tpu.memory_space<hbm>>) target(%arg8 : memref<10000xi32, #tpu.memory_space<vmem>>) target_semaphore(%run_scoped3A : memref<!tpu.dma_semaphore, #tpu.memory_space<semaphore_mem>>)
      %dma_wait3A = arith.constant 0 : i32
      %dma_wait3A_43 = tpu.memref_slice %arg3[%add3A, %dma_wait3A] : memref<32x10000xi32, #tpu.memory_space<hbm>> -> memref<1x10000xi32, #tpu.memory_space<hbm>>
      %dma_wait3A_44 = tpu.memref_squeeze %dma_wait3A_43 : memref<1x10000xi32, #tpu.memory_space<hbm>> -> memref<10000xi32, #tpu.memory_space<hbm>>
      %dma_wait3A_45 = arith.constant 0 : i32
      %dma_wait3A_46 = tpu.memref_slice %arg3[%add3A, %dma_wait3A_45] : memref<32x10000xi32, #tpu.memory_space<hbm>> -> memref<1x10000xi32, #tpu.memory_space<hbm>>
      %dma_wait3A_47 = tpu.memref_squeeze %dma_wait3A_46 : memref<1x10000xi32, #tpu.memory_space<hbm>> -> memref<10000xi32, #tpu.memory_space<hbm>>
      tpu.wait_dma2 semaphore(%run_scoped3A : memref<!tpu.dma_semaphore, #tpu.memory_space<semaphore_mem>>) src(%dma_wait3A_47 : memref<10000xi32, #tpu.memory_space<hbm>>) dst(%arg8 : memref<10000xi32, #tpu.memory_space<vmem>>)
      tpu.yield
    }) : () -> ()
    %barrier3A = arith.constant 0 : index
    tpu.barrier barrier_id(%barrier3A)
    %dma_start3A = arith.constant 0 : i32
    %dma_start3A_3 = tpu.memref_slice %arg7[%dma_start3A] : memref<10000xi32, #tpu.memory_space<vmem>> -> memref<40xi32, #tpu.memory_space<vmem>>
    %dma_start3A_4 = arith.constant 0 : i32
    %dma_start3A_5 = arith.constant 0 : i32
    %dma_start3A_6 = tpu.memref_slice %arg4[%dma_start3A_4, %dma_start3A_5] : memref<10000x128xf32, #tpu.memory_space<hbm>> -> memref<10000x128xf32, #tpu.memory_space<hbm>>
    tpu.enqueue_indirect_dma source(%dma_start3A_6 : memref<10000x128xf32, #tpu.memory_space<hbm>>) target(%arg9 : memref<40x128xf32, #tpu.memory_space<vmem>>) offsets(%dma_start3A_3 : memref<40xi32, #tpu.memory_space<vmem>>) semaphore(%arg15 : memref<!tpu.dma_semaphore, #tpu.memory_space<semaphore_mem>>)
    %dma_start3A_7 = arith.constant 40 : i32
    %dma_start3A_8 = tpu.memref_slice %arg7[%dma_start3A_7] : memref<10000xi32, #tpu.memory_space<vmem>> -> memref<40xi32, #tpu.memory_space<vmem>>
    %dma_start3A_9 = arith.constant 0 : i32
    %dma_start3A_10 = arith.constant 0 : i32
    %dma_start3A_11 = tpu.memref_slice %arg4[%dma_start3A_9, %dma_start3A_10] : memref<10000x128xf32, #tpu.memory_space<hbm>> -> memref<10000x128xf32, #tpu.memory_space<hbm>>
    tpu.enqueue_indirect_dma source(%dma_start3A_11 : memref<10000x128xf32, #tpu.memory_space<hbm>>) target(%arg10 : memref<40x128xf32, #tpu.memory_space<vmem>>) offsets(%dma_start3A_8 : memref<40xi32, #tpu.memory_space<vmem>>) semaphore(%arg16 : memref<!tpu.dma_semaphore, #tpu.memory_space<semaphore_mem>>)
    %dma_start3A_12 = arith.constant 80 : i32
    %dma_start3A_13 = tpu.memref_slice %arg7[%dma_start3A_12] : memref<10000xi32, #tpu.memory_space<vmem>> -> memref<40xi32, #tpu.memory_space<vmem>>
    %dma_start3A_14 = arith.constant 0 : i32
    %dma_start3A_15 = arith.constant 0 : i32
    %dma_start3A_16 = tpu.memref_slice %arg4[%dma_start3A_14, %dma_start3A_15] : memref<10000x128xf32, #tpu.memory_space<hbm>> -> memref<10000x128xf32, #tpu.memory_space<hbm>>
    tpu.enqueue_indirect_dma source(%dma_start3A_16 : memref<10000x128xf32, #tpu.memory_space<hbm>>) target(%arg11 : memref<40x128xf32, #tpu.memory_space<vmem>>) offsets(%dma_start3A_13 : memref<40xi32, #tpu.memory_space<vmem>>) semaphore(%arg17 : memref<!tpu.dma_semaphore, #tpu.memory_space<semaphore_mem>>)
    %dma_start3A_17 = arith.constant 120 : i32
    %dma_start3A_18 = tpu.memref_slice %arg7[%dma_start3A_17] : memref<10000xi32, #tpu.memory_space<vmem>> -> memref<40xi32, #tpu.memory_space<vmem>>
    %dma_start3A_19 = arith.constant 0 : i32
    %dma_start3A_20 = arith.constant 0 : i32
    %dma_start3A_21 = tpu.memref_slice %arg4[%dma_start3A_19, %dma_start3A_20] : memref<10000x128xf32, #tpu.memory_space<hbm>> -> memref<10000x128xf32, #tpu.memory_space<hbm>>
    tpu.enqueue_indirect_dma source(%dma_start3A_21 : memref<10000x128xf32, #tpu.memory_space<hbm>>) target(%arg12 : memref<40x128xf32, #tpu.memory_space<vmem>>) offsets(%dma_start3A_18 : memref<40xi32, #tpu.memory_space<vmem>>) semaphore(%arg18 : memref<!tpu.dma_semaphore, #tpu.memory_space<semaphore_mem>>)
    %dma_start3A_22 = arith.constant 160 : i32
    %dma_start3A_23 = tpu.memref_slice %arg7[%dma_start3A_22] : memref<10000xi32, #tpu.memory_space<vmem>> -> memref<40xi32, #tpu.memory_space<vmem>>
    %dma_start3A_24 = arith.constant 0 : i32
    %dma_start3A_25 = arith.constant 0 : i32
    %dma_start3A_26 = tpu.memref_slice %arg4[%dma_start3A_24, %dma_start3A_25] : memref<10000x128xf32, #tpu.memory_space<hbm>> -> memref<10000x128xf32, #tpu.memory_space<hbm>>
    tpu.enqueue_indirect_dma source(%dma_start3A_26 : memref<10000x128xf32, #tpu.memory_space<hbm>>) target(%arg13 : memref<40x128xf32, #tpu.memory_space<vmem>>) offsets(%dma_start3A_23 : memref<40xi32, #tpu.memory_space<vmem>>) semaphore(%arg19 : memref<!tpu.dma_semaphore, #tpu.memory_space<semaphore_mem>>)
    %scan3A = arith.constant 0 : i32
    %scan3A_27 = arith.constant 0 : i32
    %scan3A_28 = arith.constant 50 : i32
    %scan3A_29 = arith.addi %scan3A_27, %scan3A_28 : i32
    %scan3A_30 = arith.constant 1 : i32
    scf.for %scan3A_37 = %scan3A_27 to %scan3A_29 step %scan3A_30  : i32 {
      %mul3A_38 = arith.constant 5 : i32
      %mul3A_39 = arith.muli %scan3A_37, %mul3A_38 : i32
      %add3A_40 = arith.constant 0 : i32
      %add3A_41 = arith.addi %mul3A_39, %add3A_40 : i32
      %mul3A_42 = arith.constant 40 : i32
      %mul3A_43 = arith.muli %add3A_41, %mul3A_42 : i32
      %dma_wait3A = tpu.memref_slice %arg7[%mul3A_43] : memref<10000xi32, #tpu.memory_space<vmem>> -> memref<40xi32, #tpu.memory_space<vmem>>
      %dma_wait3A_44 = arith.constant 0 : i32
      %dma_wait3A_45 = arith.constant 0 : i32
      %dma_wait3A_46 = tpu.memref_slice %arg4[%dma_wait3A_44, %dma_wait3A_45] : memref<10000x128xf32, #tpu.memory_space<hbm>> -> memref<10000x128xf32, #tpu.memory_space<hbm>>
      tpu.wait_indirect_dma semaphore(%arg15 : memref<!tpu.dma_semaphore, #tpu.memory_space<semaphore_mem>>) src(%dma_wait3A_46 : memref<10000x128xf32, #tpu.memory_space<hbm>>) dst(%arg9 : memref<40x128xf32, #tpu.memory_space<vmem>>)
      %mul3A_47 = arith.constant 40 : i32
      %mul3A_48 = arith.muli %add3A_41, %mul3A_47 : i32
      "tpu.region"() ({
        %run_scoped3A = tpu.sem_alloc : memref<!tpu.dma_semaphore, #tpu.memory_space<semaphore_mem>>
        %dma_start3A_129 = tpu.memref_slice %arg8[%mul3A_48] : memref<10000xi32, #tpu.memory_space<vmem>> -> memref<40xi32, #tpu.memory_space<vmem>>
        %dma_start3A_130 = arith.constant 0 : i32
        %dma_start3A_131 = arith.constant 0 : i32
        %dma_start3A_132 = tpu.memref_slice %arg14[%dma_start3A_130, %dma_start3A_131] : memref<10240x128xf32, #tpu.memory_space<vmem_shared>> -> memref<10240x128xf32, #tpu.memory_space<vmem_shared>>
        tpu.enqueue_indirect_dma source(%arg9 : memref<40x128xf32, #tpu.memory_space<vmem>>) target(%dma_start3A_132 : memref<10240x128xf32, #tpu.memory_space<vmem_shared>>) offsets(%dma_start3A_129 : memref<40xi32, #tpu.memory_space<vmem>>) semaphore(%run_scoped3A : memref<!tpu.dma_semaphore, #tpu.memory_space<semaphore_mem>>) {add = true}
        %dma_wait3A_133 = tpu.memref_slice %arg8[%mul3A_48] : memref<10000xi32, #tpu.memory_space<vmem>> -> memref<40xi32, #tpu.memory_space<vmem>>
        %dma_wait3A_134 = arith.constant 0 : i32
        %dma_wait3A_135 = arith.constant 0 : i32
        %dma_wait3A_136 = tpu.memref_slice %arg14[%dma_wait3A_134, %dma_wait3A_135] : memref<10240x128xf32, #tpu.memory_space<vmem_shared>> -> memref<10240x128xf32, #tpu.memory_space<vmem_shared>>
        tpu.wait_indirect_dma semaphore(%run_scoped3A : memref<!tpu.dma_semaphore, #tpu.memory_space<semaphore_mem>>) src(%arg9 : memref<40x128xf32, #tpu.memory_space<vmem>>) dst(%dma_wait3A_136 : memref<10240x128xf32, #tpu.memory_space<vmem_shared>>)
        tpu.yield
      }) : () -> ()
      %add3A_49 = arith.constant 5 : i32
      %add3A_50 = arith.addi %add3A_41, %add3A_49 : i32
      %lt3A = arith.constant 250 : i32
      %lt3A_51 = arith.cmpi slt, %add3A_50, %lt3A : i32
      %convert_element_type3A = arith.extui %lt3A_51 : i1 to i32
      %cond3A = arith.constant 0 : i32
      %cond3A_52 = arith.cmpi ne, %convert_element_type3A, %cond3A : i32
      scf.if %cond3A_52 {
        %add3A_129 = arith.constant 5 : i32
        %add3A_130 = arith.addi %add3A_41, %add3A_129 : i32
        %mul3A_131 = arith.constant 40 : i32
        %mul3A_132 = arith.muli %add3A_130, %mul3A_131 : i32
        %dma_start3A_133 = tpu.memref_slice %arg7[%mul3A_132] : memref<10000xi32, #tpu.memory_space<vmem>> -> memref<40xi32, #tpu.memory_space<vmem>>
        %dma_start3A_134 = arith.constant 0 : i32
        %dma_start3A_135 = arith.constant 0 : i32
        %dma_start3A_136 = tpu.memref_slice %arg4[%dma_start3A_134, %dma_start3A_135] : memref<10000x128xf32, #tpu.memory_space<hbm>> -> memref<10000x128xf32, #tpu.memory_space<hbm>>
        tpu.enqueue_indirect_dma source(%dma_start3A_136 : memref<10000x128xf32, #tpu.memory_space<hbm>>) target(%arg9 : memref<40x128xf32, #tpu.memory_space<vmem>>) offsets(%dma_start3A_133 : memref<40xi32, #tpu.memory_space<vmem>>) semaphore(%arg15 : memref<!tpu.dma_semaphore, #tpu.memory_space<semaphore_mem>>)
      } else {
      }
      %mul3A_53 = arith.constant 5 : i32
      %mul3A_54 = arith.muli %scan3A_37, %mul3A_53 : i32
      %add3A_55 = arith.constant 1 : i32
      %add3A_56 = arith.addi %mul3A_54, %add3A_55 : i32
      %mul3A_57 = arith.constant 40 : i32
      %mul3A_58 = arith.muli %add3A_56, %mul3A_57 : i32
      %dma_wait3A_59 = tpu.memref_slice %arg7[%mul3A_58] : memref<10000xi32, #tpu.memory_space<vmem>> -> memref<40xi32, #tpu.memory_space<vmem>>
      %dma_wait3A_60 = arith.constant 0 : i32
      %dma_wait3A_61 = arith.constant 0 : i32
      %dma_wait3A_62 = tpu.memref_slice %arg4[%dma_wait3A_60, %dma_wait3A_61] : memref<10000x128xf32, #tpu.memory_space<hbm>> -> memref<10000x128xf32, #tpu.memory_space<hbm>>
      tpu.wait_indirect_dma semaphore(%arg16 : memref<!tpu.dma_semaphore, #tpu.memory_space<semaphore_mem>>) src(%dma_wait3A_62 : memref<10000x128xf32, #tpu.memory_space<hbm>>) dst(%arg10 : memref<40x128xf32, #tpu.memory_space<vmem>>)
      %mul3A_63 = arith.constant 40 : i32
      %mul3A_64 = arith.muli %add3A_56, %mul3A_63 : i32
      "tpu.region"() ({
        %run_scoped3A = tpu.sem_alloc : memref<!tpu.dma_semaphore, #tpu.memory_space<semaphore_mem>>
        %dma_start3A_129 = tpu.memref_slice %arg8[%mul3A_64] : memref<10000xi32, #tpu.memory_space<vmem>> -> memref<40xi32, #tpu.memory_space<vmem>>
        %dma_start3A_130 = arith.constant 0 : i32
        %dma_start3A_131 = arith.constant 0 : i32
        %dma_start3A_132 = tpu.memref_slice %arg14[%dma_start3A_130, %dma_start3A_131] : memref<10240x128xf32, #tpu.memory_space<vmem_shared>> -> memref<10240x128xf32, #tpu.memory_space<vmem_shared>>
        tpu.enqueue_indirect_dma source(%arg10 : memref<40x128xf32, #tpu.memory_space<vmem>>) target(%dma_start3A_132 : memref<10240x128xf32, #tpu.memory_space<vmem_shared>>) offsets(%dma_start3A_129 : memref<40xi32, #tpu.memory_space<vmem>>) semaphore(%run_scoped3A : memref<!tpu.dma_semaphore, #tpu.memory_space<semaphore_mem>>) {add = true}
        %dma_wait3A_133 = tpu.memref_slice %arg8[%mul3A_64] : memref<10000xi32, #tpu.memory_space<vmem>> -> memref<40xi32, #tpu.memory_space<vmem>>
        %dma_wait3A_134 = arith.constant 0 : i32
        %dma_wait3A_135 = arith.constant 0 : i32
        %dma_wait3A_136 = tpu.memref_slice %arg14[%dma_wait3A_134, %dma_wait3A_135] : memref<10240x128xf32, #tpu.memory_space<vmem_shared>> -> memref<10240x128xf32, #tpu.memory_space<vmem_shared>>
        tpu.wait_indirect_dma semaphore(%run_scoped3A : memref<!tpu.dma_semaphore, #tpu.memory_space<semaphore_mem>>) src(%arg10 : memref<40x128xf32, #tpu.memory_space<vmem>>) dst(%dma_wait3A_136 : memref<10240x128xf32, #tpu.memory_space<vmem_shared>>)
        tpu.yield
      }) : () -> ()
      %add3A_65 = arith.constant 5 : i32
      %add3A_66 = arith.addi %add3A_56, %add3A_65 : i32
      %lt3A_67 = arith.constant 250 : i32
      %lt3A_68 = arith.cmpi slt, %add3A_66, %lt3A_67 : i32
      %convert_element_type3A_69 = arith.extui %lt3A_68 : i1 to i32
      %cond3A_70 = arith.constant 0 : i32
      %cond3A_71 = arith.cmpi ne, %convert_element_type3A_69, %cond3A_70 : i32
      scf.if %cond3A_71 {
        %add3A_129 = arith.constant 5 : i32
        %add3A_130 = arith.addi %add3A_56, %add3A_129 : i32
        %mul3A_131 = arith.constant 40 : i32
        %mul3A_132 = arith.muli %add3A_130, %mul3A_131 : i32
        %dma_start3A_133 = tpu.memref_slice %arg7[%mul3A_132] : memref<10000xi32, #tpu.memory_space<vmem>> -> memref<40xi32, #tpu.memory_space<vmem>>
        %dma_start3A_134 = arith.constant 0 : i32
        %dma_start3A_135 = arith.constant 0 : i32
        %dma_start3A_136 = tpu.memref_slice %arg4[%dma_start3A_134, %dma_start3A_135] : memref<10000x128xf32, #tpu.memory_space<hbm>> -> memref<10000x128xf32, #tpu.memory_space<hbm>>
        tpu.enqueue_indirect_dma source(%dma_start3A_136 : memref<10000x128xf32, #tpu.memory_space<hbm>>) target(%arg10 : memref<40x128xf32, #tpu.memory_space<vmem>>) offsets(%dma_start3A_133 : memref<40xi32, #tpu.memory_space<vmem>>) semaphore(%arg16 : memref<!tpu.dma_semaphore, #tpu.memory_space<semaphore_mem>>)
      } else {
      }
      %mul3A_72 = arith.constant 5 : i32
      %mul3A_73 = arith.muli %scan3A_37, %mul3A_72 : i32
      %add3A_74 = arith.constant 2 : i32
      %add3A_75 = arith.addi %mul3A_73, %add3A_74 : i32
      %mul3A_76 = arith.constant 40 : i32
      %mul3A_77 = arith.muli %add3A_75, %mul3A_76 : i32
      %dma_wait3A_78 = tpu.memref_slice %arg7[%mul3A_77] : memref<10000xi32, #tpu.memory_space<vmem>> -> memref<40xi32, #tpu.memory_space<vmem>>
      %dma_wait3A_79 = arith.constant 0 : i32
      %dma_wait3A_80 = arith.constant 0 : i32
      %dma_wait3A_81 = tpu.memref_slice %arg4[%dma_wait3A_79, %dma_wait3A_80] : memref<10000x128xf32, #tpu.memory_space<hbm>> -> memref<10000x128xf32, #tpu.memory_space<hbm>>
      tpu.wait_indirect_dma semaphore(%arg17 : memref<!tpu.dma_semaphore, #tpu.memory_space<semaphore_mem>>) src(%dma_wait3A_81 : memref<10000x128xf32, #tpu.memory_space<hbm>>) dst(%arg11 : memref<40x128xf32, #tpu.memory_space<vmem>>)
      %mul3A_82 = arith.constant 40 : i32
      %mul3A_83 = arith.muli %add3A_75, %mul3A_82 : i32
      "tpu.region"() ({
        %run_scoped3A = tpu.sem_alloc : memref<!tpu.dma_semaphore, #tpu.memory_space<semaphore_mem>>
        %dma_start3A_129 = tpu.memref_slice %arg8[%mul3A_83] : memref<10000xi32, #tpu.memory_space<vmem>> -> memref<40xi32, #tpu.memory_space<vmem>>
        %dma_start3A_130 = arith.constant 0 : i32
        %dma_start3A_131 = arith.constant 0 : i32
        %dma_start3A_132 = tpu.memref_slice %arg14[%dma_start3A_130, %dma_start3A_131] : memref<10240x128xf32, #tpu.memory_space<vmem_shared>> -> memref<10240x128xf32, #tpu.memory_space<vmem_shared>>
        tpu.enqueue_indirect_dma source(%arg11 : memref<40x128xf32, #tpu.memory_space<vmem>>) target(%dma_start3A_132 : memref<10240x128xf32, #tpu.memory_space<vmem_shared>>) offsets(%dma_start3A_129 : memref<40xi32, #tpu.memory_space<vmem>>) semaphore(%run_scoped3A : memref<!tpu.dma_semaphore, #tpu.memory_space<semaphore_mem>>) {add = true}
        %dma_wait3A_133 = tpu.memref_slice %arg8[%mul3A_83] : memref<10000xi32, #tpu.memory_space<vmem>> -> memref<40xi32, #tpu.memory_space<vmem>>
        %dma_wait3A_134 = arith.constant 0 : i32
        %dma_wait3A_135 = arith.constant 0 : i32
        %dma_wait3A_136 = tpu.memref_slice %arg14[%dma_wait3A_134, %dma_wait3A_135] : memref<10240x128xf32, #tpu.memory_space<vmem_shared>> -> memref<10240x128xf32, #tpu.memory_space<vmem_shared>>
        tpu.wait_indirect_dma semaphore(%run_scoped3A : memref<!tpu.dma_semaphore, #tpu.memory_space<semaphore_mem>>) src(%arg11 : memref<40x128xf32, #tpu.memory_space<vmem>>) dst(%dma_wait3A_136 : memref<10240x128xf32, #tpu.memory_space<vmem_shared>>)
        tpu.yield
      }) : () -> ()
      %add3A_84 = arith.constant 5 : i32
      %add3A_85 = arith.addi %add3A_75, %add3A_84 : i32
      %lt3A_86 = arith.constant 250 : i32
      %lt3A_87 = arith.cmpi slt, %add3A_85, %lt3A_86 : i32
      %convert_element_type3A_88 = arith.extui %lt3A_87 : i1 to i32
      %cond3A_89 = arith.constant 0 : i32
      %cond3A_90 = arith.cmpi ne, %convert_element_type3A_88, %cond3A_89 : i32
      scf.if %cond3A_90 {
        %add3A_129 = arith.constant 5 : i32
        %add3A_130 = arith.addi %add3A_75, %add3A_129 : i32
        %mul3A_131 = arith.constant 40 : i32
        %mul3A_132 = arith.muli %add3A_130, %mul3A_131 : i32
        %dma_start3A_133 = tpu.memref_slice %arg7[%mul3A_132] : memref<10000xi32, #tpu.memory_space<vmem>> -> memref<40xi32, #tpu.memory_space<vmem>>
        %dma_start3A_134 = arith.constant 0 : i32
        %dma_start3A_135 = arith.constant 0 : i32
        %dma_start3A_136 = tpu.memref_slice %arg4[%dma_start3A_134, %dma_start3A_135] : memref<10000x128xf32, #tpu.memory_space<hbm>> -> memref<10000x128xf32, #tpu.memory_space<hbm>>
        tpu.enqueue_indirect_dma source(%dma_start3A_136 : memref<10000x128xf32, #tpu.memory_space<hbm>>) target(%arg11 : memref<40x128xf32, #tpu.memory_space<vmem>>) offsets(%dma_start3A_133 : memref<40xi32, #tpu.memory_space<vmem>>) semaphore(%arg17 : memref<!tpu.dma_semaphore, #tpu.memory_space<semaphore_mem>>)
      } else {
      }
      %mul3A_91 = arith.constant 5 : i32
      %mul3A_92 = arith.muli %scan3A_37, %mul3A_91 : i32
      %add3A_93 = arith.constant 3 : i32
      %add3A_94 = arith.addi %mul3A_92, %add3A_93 : i32
      %mul3A_95 = arith.constant 40 : i32
      %mul3A_96 = arith.muli %add3A_94, %mul3A_95 : i32
      %dma_wait3A_97 = tpu.memref_slice %arg7[%mul3A_96] : memref<10000xi32, #tpu.memory_space<vmem>> -> memref<40xi32, #tpu.memory_space<vmem>>
      %dma_wait3A_98 = arith.constant 0 : i32
      %dma_wait3A_99 = arith.constant 0 : i32
      %dma_wait3A_100 = tpu.memref_slice %arg4[%dma_wait3A_98, %dma_wait3A_99] : memref<10000x128xf32, #tpu.memory_space<hbm>> -> memref<10000x128xf32, #tpu.memory_space<hbm>>
      tpu.wait_indirect_dma semaphore(%arg18 : memref<!tpu.dma_semaphore, #tpu.memory_space<semaphore_mem>>) src(%dma_wait3A_100 : memref<10000x128xf32, #tpu.memory_space<hbm>>) dst(%arg12 : memref<40x128xf32, #tpu.memory_space<vmem>>)
      %mul3A_101 = arith.constant 40 : i32
      %mul3A_102 = arith.muli %add3A_94, %mul3A_101 : i32
      "tpu.region"() ({
        %run_scoped3A = tpu.sem_alloc : memref<!tpu.dma_semaphore, #tpu.memory_space<semaphore_mem>>
        %dma_start3A_129 = tpu.memref_slice %arg8[%mul3A_102] : memref<10000xi32, #tpu.memory_space<vmem>> -> memref<40xi32, #tpu.memory_space<vmem>>
        %dma_start3A_130 = arith.constant 0 : i32
        %dma_start3A_131 = arith.constant 0 : i32
        %dma_start3A_132 = tpu.memref_slice %arg14[%dma_start3A_130, %dma_start3A_131] : memref<10240x128xf32, #tpu.memory_space<vmem_shared>> -> memref<10240x128xf32, #tpu.memory_space<vmem_shared>>
        tpu.enqueue_indirect_dma source(%arg12 : memref<40x128xf32, #tpu.memory_space<vmem>>) target(%dma_start3A_132 : memref<10240x128xf32, #tpu.memory_space<vmem_shared>>) offsets(%dma_start3A_129 : memref<40xi32, #tpu.memory_space<vmem>>) semaphore(%run_scoped3A : memref<!tpu.dma_semaphore, #tpu.memory_space<semaphore_mem>>) {add = true}
        %dma_wait3A_133 = tpu.memref_slice %arg8[%mul3A_102] : memref<10000xi32, #tpu.memory_space<vmem>> -> memref<40xi32, #tpu.memory_space<vmem>>
        %dma_wait3A_134 = arith.constant 0 : i32
        %dma_wait3A_135 = arith.constant 0 : i32
        %dma_wait3A_136 = tpu.memref_slice %arg14[%dma_wait3A_134, %dma_wait3A_135] : memref<10240x128xf32, #tpu.memory_space<vmem_shared>> -> memref<10240x128xf32, #tpu.memory_space<vmem_shared>>
        tpu.wait_indirect_dma semaphore(%run_scoped3A : memref<!tpu.dma_semaphore, #tpu.memory_space<semaphore_mem>>) src(%arg12 : memref<40x128xf32, #tpu.memory_space<vmem>>) dst(%dma_wait3A_136 : memref<10240x128xf32, #tpu.memory_space<vmem_shared>>)
        tpu.yield
      }) : () -> ()
      %add3A_103 = arith.constant 5 : i32
      %add3A_104 = arith.addi %add3A_94, %add3A_103 : i32
      %lt3A_105 = arith.constant 250 : i32
      %lt3A_106 = arith.cmpi slt, %add3A_104, %lt3A_105 : i32
      %convert_element_type3A_107 = arith.extui %lt3A_106 : i1 to i32
      %cond3A_108 = arith.constant 0 : i32
      %cond3A_109 = arith.cmpi ne, %convert_element_type3A_107, %cond3A_108 : i32
      scf.if %cond3A_109 {
        %add3A_129 = arith.constant 5 : i32
        %add3A_130 = arith.addi %add3A_94, %add3A_129 : i32
        %mul3A_131 = arith.constant 40 : i32
        %mul3A_132 = arith.muli %add3A_130, %mul3A_131 : i32
        %dma_start3A_133 = tpu.memref_slice %arg7[%mul3A_132] : memref<10000xi32, #tpu.memory_space<vmem>> -> memref<40xi32, #tpu.memory_space<vmem>>
        %dma_start3A_134 = arith.constant 0 : i32
        %dma_start3A_135 = arith.constant 0 : i32
        %dma_start3A_136 = tpu.memref_slice %arg4[%dma_start3A_134, %dma_start3A_135] : memref<10000x128xf32, #tpu.memory_space<hbm>> -> memref<10000x128xf32, #tpu.memory_space<hbm>>
        tpu.enqueue_indirect_dma source(%dma_start3A_136 : memref<10000x128xf32, #tpu.memory_space<hbm>>) target(%arg12 : memref<40x128xf32, #tpu.memory_space<vmem>>) offsets(%dma_start3A_133 : memref<40xi32, #tpu.memory_space<vmem>>) semaphore(%arg18 : memref<!tpu.dma_semaphore, #tpu.memory_space<semaphore_mem>>)
      } else {
      }
      %mul3A_110 = arith.constant 5 : i32
      %mul3A_111 = arith.muli %scan3A_37, %mul3A_110 : i32
      %add3A_112 = arith.constant 4 : i32
      %add3A_113 = arith.addi %mul3A_111, %add3A_112 : i32
      %mul3A_114 = arith.constant 40 : i32
      %mul3A_115 = arith.muli %add3A_113, %mul3A_114 : i32
      %dma_wait3A_116 = tpu.memref_slice %arg7[%mul3A_115] : memref<10000xi32, #tpu.memory_space<vmem>> -> memref<40xi32, #tpu.memory_space<vmem>>
      %dma_wait3A_117 = arith.constant 0 : i32
      %dma_wait3A_118 = arith.constant 0 : i32
      %dma_wait3A_119 = tpu.memref_slice %arg4[%dma_wait3A_117, %dma_wait3A_118] : memref<10000x128xf32, #tpu.memory_space<hbm>> -> memref<10000x128xf32, #tpu.memory_space<hbm>>
      tpu.wait_indirect_dma semaphore(%arg19 : memref<!tpu.dma_semaphore, #tpu.memory_space<semaphore_mem>>) src(%dma_wait3A_119 : memref<10000x128xf32, #tpu.memory_space<hbm>>) dst(%arg13 : memref<40x128xf32, #tpu.memory_space<vmem>>)
      %mul3A_120 = arith.constant 40 : i32
      %mul3A_121 = arith.muli %add3A_113, %mul3A_120 : i32
      "tpu.region"() ({
        %run_scoped3A = tpu.sem_alloc : memref<!tpu.dma_semaphore, #tpu.memory_space<semaphore_mem>>
        %dma_start3A_129 = tpu.memref_slice %arg8[%mul3A_121] : memref<10000xi32, #tpu.memory_space<vmem>> -> memref<40xi32, #tpu.memory_space<vmem>>
        %dma_start3A_130 = arith.constant 0 : i32
        %dma_start3A_131 = arith.constant 0 : i32
        %dma_start3A_132 = tpu.memref_slice %arg14[%dma_start3A_130, %dma_start3A_131] : memref<10240x128xf32, #tpu.memory_space<vmem_shared>> -> memref<10240x128xf32, #tpu.memory_space<vmem_shared>>
        tpu.enqueue_indirect_dma source(%arg13 : memref<40x128xf32, #tpu.memory_space<vmem>>) target(%dma_start3A_132 : memref<10240x128xf32, #tpu.memory_space<vmem_shared>>) offsets(%dma_start3A_129 : memref<40xi32, #tpu.memory_space<vmem>>) semaphore(%run_scoped3A : memref<!tpu.dma_semaphore, #tpu.memory_space<semaphore_mem>>) {add = true}
        %dma_wait3A_133 = tpu.memref_slice %arg8[%mul3A_121] : memref<10000xi32, #tpu.memory_space<vmem>> -> memref<40xi32, #tpu.memory_space<vmem>>
        %dma_wait3A_134 = arith.constant 0 : i32
        %dma_wait3A_135 = arith.constant 0 : i32
        %dma_wait3A_136 = tpu.memref_slice %arg14[%dma_wait3A_134, %dma_wait3A_135] : memref<10240x128xf32, #tpu.memory_space<vmem_shared>> -> memref<10240x128xf32, #tpu.memory_space<vmem_shared>>
        tpu.wait_indirect_dma semaphore(%run_scoped3A : memref<!tpu.dma_semaphore, #tpu.memory_space<semaphore_mem>>) src(%arg13 : memref<40x128xf32, #tpu.memory_space<vmem>>) dst(%dma_wait3A_136 : memref<10240x128xf32, #tpu.memory_space<vmem_shared>>)
        tpu.yield
      }) : () -> ()
      %add3A_122 = arith.constant 5 : i32
      %add3A_123 = arith.addi %add3A_113, %add3A_122 : i32
      %lt3A_124 = arith.constant 250 : i32
      %lt3A_125 = arith.cmpi slt, %add3A_123, %lt3A_124 : i32
      %convert_element_type3A_126 = arith.extui %lt3A_125 : i1 to i32
      %cond3A_127 = arith.constant 0 : i32
      %cond3A_128 = arith.cmpi ne, %convert_element_type3A_126, %cond3A_127 : i32
      scf.if %cond3A_128 {
        %add3A_129 = arith.constant 5 : i32
        %add3A_130 = arith.addi %add3A_113, %add3A_129 : i32
        %mul3A_131 = arith.constant 40 : i32
        %mul3A_132 = arith.muli %add3A_130, %mul3A_131 : i32
        %dma_start3A_133 = tpu.memref_slice %arg7[%mul3A_132] : memref<10000xi32, #tpu.memory_space<vmem>> -> memref<40xi32, #tpu.memory_space<vmem>>
        %dma_start3A_134 = arith.constant 0 : i32
        %dma_start3A_135 = arith.constant 0 : i32
        %dma_start3A_136 = tpu.memref_slice %arg4[%dma_start3A_134, %dma_start3A_135] : memref<10000x128xf32, #tpu.memory_space<hbm>> -> memref<10000x128xf32, #tpu.memory_space<hbm>>
        tpu.enqueue_indirect_dma source(%dma_start3A_136 : memref<10000x128xf32, #tpu.memory_space<hbm>>) target(%arg13 : memref<40x128xf32, #tpu.memory_space<vmem>>) offsets(%dma_start3A_133 : memref<40xi32, #tpu.memory_space<vmem>>) semaphore(%arg19 : memref<!tpu.dma_semaphore, #tpu.memory_space<semaphore_mem>>)
      } else {
      }
    }
    %scan3A_31 = arith.constant 50 : i32
    %barrier3A_32 = arith.constant 0 : index
    tpu.barrier barrier_id(%barrier3A_32)
    %mul3A_33 = arith.constant 640 : i32
    %mul3A_34 = arith.muli %arg1, %mul3A_33 : i32
    %mul3A_35 = arith.constant 640 : i32
    %mul3A_36 = arith.muli %arg1, %mul3A_35 : i32
    "tpu.region"() ({
      %run_scoped3A = tpu.sem_alloc : memref<!tpu.dma_semaphore, #tpu.memory_space<semaphore_mem>>
      %dma_start3A_37 = arith.constant 0 : i32
      %dma_start3A_38 = tpu.memref_slice %arg6[%arg0, %mul3A_36, %dma_start3A_37] : memref<2x10240x128xf32, #tpu.memory_space<hbm>> -> memref<1x640x128xf32, #tpu.memory_space<hbm>>
      %dma_start3A_39 = tpu.memref_squeeze %dma_start3A_38 : memref<1x640x128xf32, #tpu.memory_space<hbm>> -> memref<640x128xf32, #tpu.memory_space<hbm>>
      %dma_start3A_40 = arith.constant 0 : i32
      %dma_start3A_41 = tpu.memref_slice %arg14[%mul3A_34, %dma_start3A_40] : memref<10240x128xf32, #tpu.memory_space<vmem_shared>> -> memref<640x128xf32, #tpu.memory_space<vmem_shared>>
      tpu.enqueue_dma source(%dma_start3A_41 : memref<640x128xf32, #tpu.memory_space<vmem_shared>>) target(%dma_start3A_39 : memref<640x128xf32, #tpu.memory_space<hbm>>) target_semaphore(%run_scoped3A : memref<!tpu.dma_semaphore, #tpu.memory_space<semaphore_mem>>)
      %dma_wait3A = arith.constant 0 : i32
      %dma_wait3A_42 = tpu.memref_slice %arg6[%arg0, %mul3A_36, %dma_wait3A] : memref<2x10240x128xf32, #tpu.memory_space<hbm>> -> memref<1x640x128xf32, #tpu.memory_space<hbm>>
      %dma_wait3A_43 = tpu.memref_squeeze %dma_wait3A_42 : memref<1x640x128xf32, #tpu.memory_space<hbm>> -> memref<640x128xf32, #tpu.memory_space<hbm>>
      %dma_wait3A_44 = arith.constant 0 : i32
      %dma_wait3A_45 = tpu.memref_slice %arg14[%mul3A_34, %dma_wait3A_44] : memref<10240x128xf32, #tpu.memory_space<vmem_shared>> -> memref<640x128xf32, #tpu.memory_space<vmem_shared>>
      tpu.wait_dma2 semaphore(%run_scoped3A : memref<!tpu.dma_semaphore, #tpu.memory_space<semaphore_mem>>) src(%dma_wait3A_45 : memref<640x128xf32, #tpu.memory_space<vmem_shared>>) dst(%dma_wait3A_43 : memref<640x128xf32, #tpu.memory_space<hbm>>)
      tpu.yield
    }) : () -> ()
    return
  }
}

#map = affine_map<(d0, d1) -> (0, 0, 0)>
#map1 = affine_map<(d0, d1) -> (0)>
#map2 = affine_map<(d0, d1) -> (0, 0)>
module attributes {stable_mosaic.version = 14 : i64} {
  func.func @deg_kernel(%arg0: i32, %arg1: i32, %arg2: memref<32x125x80xi32, #tpu.memory_space<hbm>>, %arg3: memref<80xf32, #tpu.memory_space<hbm>>, %arg4: memref<640xf32, #tpu.memory_space<hbm>>, %arg5: memref<2x10240xf32, #tpu.memory_space<hbm>>, %arg6: memref<125x80xi32, #tpu.memory_space<vmem>>, %arg7: memref<80xf32, #tpu.memory_space<vmem>>, %arg8: memref<10240xf32, #tpu.memory_space<vmem_shared>>, %arg9: memref<!tpu.dma_semaphore, #tpu.memory_space<semaphore_mem>>) attributes {dimension_semantics = [#tpu.dimension_semantics<core_parallel>, #tpu.dimension_semantics<subcore_parallel>], iteration_bounds = array<i64: 2, 16>, scalar_prefetch = 0 : i64, scratch_operands = 4 : i64, tpu.core_type = #tpu.core_type<sc_vector_subcore>, window_params = [{transform_indices = #map}, {transform_indices = #map1}, {transform_indices = #map1}, {transform_indices = #map2}]} {
    %mul3A = arith.constant 2 : i32
    %mul3A_0 = arith.muli %arg1, %mul3A : i32
    %add3A = arith.addi %mul3A_0, %arg0 : i32
    %mul3A_1 = arith.constant 640 : i32
    %mul3A_2 = arith.muli %arg1, %mul3A_1 : i32
    "tpu.region"() ({
      %run_scoped3A = tpu.sem_alloc : memref<!tpu.dma_semaphore, #tpu.memory_space<semaphore_mem>>
      %dma_start3A = tpu.memref_slice %arg8[%mul3A_2] : memref<10240xf32, #tpu.memory_space<vmem_shared>> -> memref<640xf32, #tpu.memory_space<vmem_shared>>
      tpu.enqueue_dma source(%arg4 : memref<640xf32, #tpu.memory_space<hbm>>) target(%dma_start3A : memref<640xf32, #tpu.memory_space<vmem_shared>>) target_semaphore(%run_scoped3A : memref<!tpu.dma_semaphore, #tpu.memory_space<semaphore_mem>>)
      %dma_wait3A = tpu.memref_slice %arg8[%mul3A_2] : memref<10240xf32, #tpu.memory_space<vmem_shared>> -> memref<640xf32, #tpu.memory_space<vmem_shared>>
      tpu.wait_dma2 semaphore(%run_scoped3A : memref<!tpu.dma_semaphore, #tpu.memory_space<semaphore_mem>>) src(%arg4 : memref<640xf32, #tpu.memory_space<hbm>>) dst(%dma_wait3A : memref<640xf32, #tpu.memory_space<vmem_shared>>)
      tpu.yield
    }) : () -> ()
    "tpu.region"() ({
      %run_scoped3A = tpu.sem_alloc : memref<!tpu.dma_semaphore, #tpu.memory_space<semaphore_mem>>
      tpu.enqueue_dma source(%arg3 : memref<80xf32, #tpu.memory_space<hbm>>) target(%arg7 : memref<80xf32, #tpu.memory_space<vmem>>) target_semaphore(%run_scoped3A : memref<!tpu.dma_semaphore, #tpu.memory_space<semaphore_mem>>)
      tpu.wait_dma2 semaphore(%run_scoped3A : memref<!tpu.dma_semaphore, #tpu.memory_space<semaphore_mem>>) src(%arg3 : memref<80xf32, #tpu.memory_space<hbm>>) dst(%arg7 : memref<80xf32, #tpu.memory_space<vmem>>)
      tpu.yield
    }) : () -> ()
    "tpu.region"() ({
      %run_scoped3A = tpu.sem_alloc : memref<!tpu.dma_semaphore, #tpu.memory_space<semaphore_mem>>
      %dma_start3A = arith.constant 0 : i32
      %dma_start3A_19 = arith.constant 0 : i32
      %dma_start3A_20 = tpu.memref_slice %arg2[%add3A, %dma_start3A, %dma_start3A_19] : memref<32x125x80xi32, #tpu.memory_space<hbm>> -> memref<1x125x80xi32, #tpu.memory_space<hbm>>
      %dma_start3A_21 = tpu.memref_squeeze %dma_start3A_20 : memref<1x125x80xi32, #tpu.memory_space<hbm>> -> memref<125x80xi32, #tpu.memory_space<hbm>>
      %dma_start3A_22 = arith.constant 0 : i32
      %dma_start3A_23 = arith.constant 0 : i32
      %dma_start3A_24 = tpu.memref_slice %arg2[%add3A, %dma_start3A_22, %dma_start3A_23] : memref<32x125x80xi32, #tpu.memory_space<hbm>> -> memref<1x125x80xi32, #tpu.memory_space<hbm>>
      %dma_start3A_25 = tpu.memref_squeeze %dma_start3A_24 : memref<1x125x80xi32, #tpu.memory_space<hbm>> -> memref<125x80xi32, #tpu.memory_space<hbm>>
      tpu.enqueue_dma source(%dma_start3A_25 : memref<125x80xi32, #tpu.memory_space<hbm>>) target(%arg6 : memref<125x80xi32, #tpu.memory_space<vmem>>) target_semaphore(%run_scoped3A : memref<!tpu.dma_semaphore, #tpu.memory_space<semaphore_mem>>)
      %dma_wait3A = arith.constant 0 : i32
      %dma_wait3A_26 = arith.constant 0 : i32
      %dma_wait3A_27 = tpu.memref_slice %arg2[%add3A, %dma_wait3A, %dma_wait3A_26] : memref<32x125x80xi32, #tpu.memory_space<hbm>> -> memref<1x125x80xi32, #tpu.memory_space<hbm>>
      %dma_wait3A_28 = tpu.memref_squeeze %dma_wait3A_27 : memref<1x125x80xi32, #tpu.memory_space<hbm>> -> memref<125x80xi32, #tpu.memory_space<hbm>>
      %dma_wait3A_29 = arith.constant 0 : i32
      %dma_wait3A_30 = arith.constant 0 : i32
      %dma_wait3A_31 = tpu.memref_slice %arg2[%add3A, %dma_wait3A_29, %dma_wait3A_30] : memref<32x125x80xi32, #tpu.memory_space<hbm>> -> memref<1x125x80xi32, #tpu.memory_space<hbm>>
      %dma_wait3A_32 = tpu.memref_squeeze %dma_wait3A_31 : memref<1x125x80xi32, #tpu.memory_space<hbm>> -> memref<125x80xi32, #tpu.memory_space<hbm>>
      tpu.wait_dma2 semaphore(%run_scoped3A : memref<!tpu.dma_semaphore, #tpu.memory_space<semaphore_mem>>) src(%dma_wait3A_32 : memref<125x80xi32, #tpu.memory_space<hbm>>) dst(%arg6 : memref<125x80xi32, #tpu.memory_space<vmem>>)
      tpu.yield
    }) : () -> ()
    %barrier3A = arith.constant 0 : index
    tpu.barrier barrier_id(%barrier3A)
    %scan3A = arith.constant 0 : i32
    %scan3A_3 = arith.constant 0 : i32
    %scan3A_4 = arith.constant 125 : i32
    %scan3A_5 = arith.addi %scan3A_3, %scan3A_4 : i32
    %scan3A_6 = arith.constant 1 : i32
    scf.for %scan3A_19 = %scan3A_3 to %scan3A_5 step %scan3A_6  : i32 {
      %dma_start3A = arith.constant 0 : i32
      %dma_start3A_20 = tpu.memref_slice %arg6[%scan3A_19, %dma_start3A] : memref<125x80xi32, #tpu.memory_space<vmem>> -> memref<1x80xi32, #tpu.memory_space<vmem>>
      %dma_start3A_21 = tpu.memref_squeeze %dma_start3A_20 : memref<1x80xi32, #tpu.memory_space<vmem>> -> memref<80xi32, #tpu.memory_space<vmem>>
      %dma_start3A_22 = arith.constant 0 : i32
      %dma_start3A_23 = tpu.memref_slice %arg8[%dma_start3A_22] : memref<10240xf32, #tpu.memory_space<vmem_shared>> -> memref<10240xf32, #tpu.memory_space<vmem_shared>>
      tpu.enqueue_indirect_dma source(%arg7 : memref<80xf32, #tpu.memory_space<vmem>>) target(%dma_start3A_23 : memref<10240xf32, #tpu.memory_space<vmem_shared>>) offsets(%dma_start3A_21 : memref<80xi32, #tpu.memory_space<vmem>>) semaphore(%arg9 : memref<!tpu.dma_semaphore, #tpu.memory_space<semaphore_mem>>) {add = true}
    }
    %scan3A_7 = arith.constant 125 : i32
    %scan3A_8 = arith.constant 0 : i32
    %scan3A_9 = arith.constant 0 : i32
    %scan3A_10 = arith.constant 125 : i32
    %scan3A_11 = arith.addi %scan3A_9, %scan3A_10 : i32
    %scan3A_12 = arith.constant 1 : i32
    scf.for %scan3A_19 = %scan3A_9 to %scan3A_11 step %scan3A_12  : i32 {
      %dma_wait3A = arith.constant 0 : i32
      %dma_wait3A_20 = tpu.memref_slice %arg6[%scan3A_19, %dma_wait3A] : memref<125x80xi32, #tpu.memory_space<vmem>> -> memref<1x80xi32, #tpu.memory_space<vmem>>
      %dma_wait3A_21 = tpu.memref_squeeze %dma_wait3A_20 : memref<1x80xi32, #tpu.memory_space<vmem>> -> memref<80xi32, #tpu.memory_space<vmem>>
      %dma_wait3A_22 = arith.constant 0 : i32
      %dma_wait3A_23 = tpu.memref_slice %arg8[%dma_wait3A_22] : memref<10240xf32, #tpu.memory_space<vmem_shared>> -> memref<10240xf32, #tpu.memory_space<vmem_shared>>
      tpu.wait_indirect_dma semaphore(%arg9 : memref<!tpu.dma_semaphore, #tpu.memory_space<semaphore_mem>>) src(%arg7 : memref<80xf32, #tpu.memory_space<vmem>>) dst(%dma_wait3A_23 : memref<10240xf32, #tpu.memory_space<vmem_shared>>)
    }
    %scan3A_13 = arith.constant 125 : i32
    %barrier3A_14 = arith.constant 0 : index
    tpu.barrier barrier_id(%barrier3A_14)
    %mul3A_15 = arith.constant 640 : i32
    %mul3A_16 = arith.muli %arg1, %mul3A_15 : i32
    %mul3A_17 = arith.constant 640 : i32
    %mul3A_18 = arith.muli %arg1, %mul3A_17 : i32
    "tpu.region"() ({
      %run_scoped3A = tpu.sem_alloc : memref<!tpu.dma_semaphore, #tpu.memory_space<semaphore_mem>>
      %dma_start3A = tpu.memref_slice %arg5[%arg0, %mul3A_18] : memref<2x10240xf32, #tpu.memory_space<hbm>> -> memref<1x640xf32, #tpu.memory_space<hbm>>
      %dma_start3A_19 = tpu.memref_squeeze %dma_start3A : memref<1x640xf32, #tpu.memory_space<hbm>> -> memref<640xf32, #tpu.memory_space<hbm>>
      %dma_start3A_20 = tpu.memref_slice %arg8[%mul3A_16] : memref<10240xf32, #tpu.memory_space<vmem_shared>> -> memref<640xf32, #tpu.memory_space<vmem_shared>>
      tpu.enqueue_dma source(%dma_start3A_20 : memref<640xf32, #tpu.memory_space<vmem_shared>>) target(%dma_start3A_19 : memref<640xf32, #tpu.memory_space<hbm>>) target_semaphore(%run_scoped3A : memref<!tpu.dma_semaphore, #tpu.memory_space<semaphore_mem>>)
      %dma_wait3A = tpu.memref_slice %arg5[%arg0, %mul3A_18] : memref<2x10240xf32, #tpu.memory_space<hbm>> -> memref<1x640xf32, #tpu.memory_space<hbm>>
      %dma_wait3A_21 = tpu.memref_squeeze %dma_wait3A : memref<1x640xf32, #tpu.memory_space<hbm>> -> memref<640xf32, #tpu.memory_space<hbm>>
      %dma_wait3A_22 = tpu.memref_slice %arg8[%mul3A_16] : memref<10240xf32, #tpu.memory_space<vmem_shared>> -> memref<640xf32, #tpu.memory_space<vmem_shared>>
      tpu.wait_dma2 semaphore(%run_scoped3A : memref<!tpu.dma_semaphore, #tpu.memory_space<semaphore_mem>>) src(%dma_wait3A_22 : memref<640xf32, #tpu.memory_space<vmem_shared>>) dst(%dma_wait3A_21 : memref<640xf32, #tpu.memory_space<hbm>>)
      tpu.yield
    }) : () -> ()
    return
  }
}

module attributes {stable_mosaic.version = 14 : i64} {
  func.func @_mm_scale_body(%arg0: i32, %arg1: memref<2000x128xf32, #tpu.memory_space<vmem>>, %arg2: memref<128x128xf32, #tpu.memory_space<vmem>>, %arg3: memref<2000x1xf32, #tpu.memory_space<vmem>>, %arg4: memref<2000x1xf32, #tpu.memory_space<vmem>>, %arg5: memref<2000x128xf32, #tpu.memory_space<vmem>>) attributes {dimension_semantics = [#tpu.dimension_semantics<arbitrary>], iteration_bounds = array<i64: 5>, scalar_prefetch = 0 : i64, scratch_operands = 0 : i64, tpu.core_type = #tpu.core_type<tc>, window_params = [{transform_indices = @transform_0, window_bounds = array<i64: 2000, 128>}, {pipeline_mode = #tpu.pipeline_mode<synchronous>, transform_indices = @transform_1, window_bounds = array<i64: 128, 128>}, {transform_indices = @transform_2, window_bounds = array<i64: 2000, 1>}, {transform_indices = @transform_3, window_bounds = array<i64: 2000, 1>}, {transform_indices = @transform_4, window_bounds = array<i64: 2000, 128>}]} {
    %get3A = arith.constant 0 : index
    %get3A_0 = arith.constant 0 : index
    %get3A_1 = vector.load %arg3[%get3A, %get3A_0] : memref<2000x1xf32, #tpu.memory_space<vmem>>, vector<2000x1xf32>
    %add3A = arith.constant 1.000000e+00 : f32
    %add3A_2 = vector.broadcast %add3A : f32 to vector<2000x1xf32>
    %add3A_3 = arith.addf %add3A_2, %get3A_1 : vector<2000x1xf32>
    %get3A_4 = arith.constant 0 : index
    %get3A_5 = arith.constant 0 : index
    %get3A_6 = vector.load %arg4[%get3A_4, %get3A_5] : memref<2000x1xf32, #tpu.memory_space<vmem>>, vector<2000x1xf32>
    %add3A_7 = arith.addf %add3A_3, %get3A_6 : vector<2000x1xf32>
    %rsqrt3A = math.rsqrt %add3A_7 : vector<2000x1xf32>
    %get3A_8 = arith.constant 0 : index
    %get3A_9 = arith.constant 0 : index
    %get3A_10 = vector.load %arg1[%get3A_8, %get3A_9] : memref<2000x128xf32, #tpu.memory_space<vmem>>, vector<2000x128xf32>
    %get3A_11 = arith.constant 0 : index
    %get3A_12 = arith.constant 0 : index
    %get3A_13 = vector.load %arg2[%get3A_11, %get3A_12] : memref<128x128xf32, #tpu.memory_space<vmem>>, vector<128x128xf32>
    %dot_general3A = arith.constant dense<0.000000e+00> : vector<2000x128xf32>
    %dot_general3A_14 = tpu.matmul %get3A_10, %get3A_13, %dot_general3A {dimension_numbers = #tpu.dot_dimension_numbers<[1], [0], [0], [1], [0, 0, 1, 1], [], []>, transpose_lhs_hint = false} : vector<2000x128xf32>, vector<128x128xf32>, vector<2000x128xf32> -> vector<2000x128xf32>
    %mul3A = vector.broadcast %rsqrt3A : vector<2000x1xf32> to vector<2000x128xf32>
    %mul3A_15 = arith.mulf %dot_general3A_14, %mul3A : vector<2000x128xf32>
    %swap3A = arith.constant 0 : index
    %swap3A_16 = arith.constant 0 : index
    %swap3A_17 = vector.load %arg5[%swap3A, %swap3A_16] : memref<2000x128xf32, #tpu.memory_space<vmem>>, vector<2000x128xf32>
    tpu.vector_store %arg5[%swap3A, %swap3A_16], %mul3A_15 {strides = array<i32>} : memref<2000x128xf32, #tpu.memory_space<vmem>>, vector<2000x128xf32>,
    return
  }
  func.func @transform_0(%arg0: i32) -> (i32, i32) {
    %c0_i32 = arith.constant 0 : i32
    %c0_i32_0 = arith.constant 0 : i32
    return %arg0, %c0_i32 : i32, i32
  }
  func.func @transform_1(%arg0: i32) -> (i32, i32) {
    %c0_i32 = arith.constant 0 : i32
    %c0_i32_0 = arith.constant 0 : i32
    %c0_i32_1 = arith.constant 0 : i32
    return %c0_i32, %c0_i32_0 : i32, i32
  }
  func.func @transform_2(%arg0: i32) -> (i32, i32) {
    %c0_i32 = arith.constant 0 : i32
    %c0_i32_0 = arith.constant 0 : i32
    return %arg0, %c0_i32 : i32, i32
  }
  func.func @transform_3(%arg0: i32) -> (i32, i32) {
    %c0_i32 = arith.constant 0 : i32
    %c0_i32_0 = arith.constant 0 : i32
    return %arg0, %c0_i32 : i32, i32
  }
  func.func @transform_4(%arg0: i32) -> (i32, i32) {
    %c0_i32 = arith.constant 0 : i32
    %c0_i32_0 = arith.constant 0 : i32
    return %arg0, %c0_i32 : i32, i32
  }
}

module attributes {stable_mosaic.version = 14 : i64} {
  func.func @_finish_body(%arg0: i32, %arg1: memref<2000x128xf32, #tpu.memory_space<vmem>>, %arg2: memref<2000x128xf32, #tpu.memory_space<vmem>>, %arg3: memref<2000x128xf32, #tpu.memory_space<vmem>>, %arg4: memref<2000x1xf32, #tpu.memory_space<vmem>>, %arg5: memref<2000x1xf32, #tpu.memory_space<vmem>>, %arg6: memref<1x128xf32, #tpu.memory_space<vmem>>, %arg7: memref<2000x128xf32, #tpu.memory_space<vmem>>) attributes {dimension_semantics = [#tpu.dimension_semantics<arbitrary>], iteration_bounds = array<i64: 5>, scalar_prefetch = 0 : i64, scratch_operands = 0 : i64, tpu.core_type = #tpu.core_type<tc>, window_params = [{transform_indices = @transform_0, window_bounds = array<i64: 2000, 128>}, {transform_indices = @transform_1, window_bounds = array<i64: 2000, 128>}, {transform_indices = @transform_2, window_bounds = array<i64: 2000, 128>}, {transform_indices = @transform_3, window_bounds = array<i64: 2000, 1>}, {transform_indices = @transform_4, window_bounds = array<i64: 2000, 1>}, {pipeline_mode = #tpu.pipeline_mode<synchronous>, transform_indices = @transform_5, window_bounds = array<i64: 1, 128>}, {transform_indices = @transform_6, window_bounds = array<i64: 2000, 128>}]} {
    %get3A = arith.constant 0 : index
    %get3A_0 = arith.constant 0 : index
    %get3A_1 = vector.load %arg4[%get3A, %get3A_0] : memref<2000x1xf32, #tpu.memory_space<vmem>>, vector<2000x1xf32>
    %add3A = arith.constant 1.000000e+00 : f32
    %add3A_2 = vector.broadcast %add3A : f32 to vector<2000x1xf32>
    %add3A_3 = arith.addf %add3A_2, %get3A_1 : vector<2000x1xf32>
    %get3A_4 = arith.constant 0 : index
    %get3A_5 = arith.constant 0 : index
    %get3A_6 = vector.load %arg5[%get3A_4, %get3A_5] : memref<2000x1xf32, #tpu.memory_space<vmem>>, vector<2000x1xf32>
    %add3A_7 = arith.addf %add3A_3, %get3A_6 : vector<2000x1xf32>
    %rsqrt3A = math.rsqrt %add3A_7 : vector<2000x1xf32>
    %get3A_8 = arith.constant 0 : index
    %get3A_9 = arith.constant 0 : index
    %get3A_10 = vector.load %arg1[%get3A_8, %get3A_9] : memref<2000x128xf32, #tpu.memory_space<vmem>>, vector<2000x128xf32>
    %get3A_11 = arith.constant 0 : index
    %get3A_12 = arith.constant 0 : index
    %get3A_13 = vector.load %arg2[%get3A_11, %get3A_12] : memref<2000x128xf32, #tpu.memory_space<vmem>>, vector<2000x128xf32>
    %add3A_14 = arith.addf %get3A_10, %get3A_13 : vector<2000x128xf32>
    %get3A_15 = arith.constant 0 : index
    %get3A_16 = arith.constant 0 : index
    %get3A_17 = vector.load %arg3[%get3A_15, %get3A_16] : memref<2000x128xf32, #tpu.memory_space<vmem>>, vector<2000x128xf32>
    %add3A_18 = arith.addf %add3A_14, %get3A_17 : vector<2000x128xf32>
    %mul3A = vector.broadcast %rsqrt3A : vector<2000x1xf32> to vector<2000x128xf32>
    %mul3A_19 = arith.mulf %add3A_18, %mul3A : vector<2000x128xf32>
    %get3A_20 = arith.constant 0 : index
    %get3A_21 = arith.constant 0 : index
    %get3A_22 = vector.load %arg6[%get3A_20, %get3A_21] : memref<1x128xf32, #tpu.memory_space<vmem>>, vector<1x128xf32>
    %add3A_23 = vector.broadcast %get3A_22 : vector<1x128xf32> to vector<2000x128xf32>
    %add3A_24 = arith.addf %mul3A_19, %add3A_23 : vector<2000x128xf32>
    %max3A = arith.constant 0.000000e+00 : f32
    %max3A_25 = vector.broadcast %max3A : f32 to vector<2000x128xf32>
    %max3A_26 = arith.maximumf %add3A_24, %max3A_25 : vector<2000x128xf32>
    %swap3A = arith.constant 0 : index
    %swap3A_27 = arith.constant 0 : index
    %swap3A_28 = vector.load %arg7[%swap3A, %swap3A_27] : memref<2000x128xf32, #tpu.memory_space<vmem>>, vector<2000x128xf32>
    tpu.vector_store %arg7[%swap3A, %swap3A_27], %max3A_26 {strides = array<i32>} : memref<2000x128xf32, #tpu.memory_space<vmem>>, vector<2000x128xf32>,
    return
  }
  func.func @transform_0(%arg0: i32) -> (i32, i32) {
    %c0_i32 = arith.constant 0 : i32
    %c0_i32_0 = arith.constant 0 : i32
    return %arg0, %c0_i32 : i32, i32
  }
  func.func @transform_1(%arg0: i32) -> (i32, i32) {
    %c0_i32 = arith.constant 0 : i32
    %c0_i32_0 = arith.constant 0 : i32
    return %arg0, %c0_i32 : i32, i32
  }
  func.func @transform_2(%arg0: i32) -> (i32, i32) {
    %c0_i32 = arith.constant 0 : i32
    %c0_i32_0 = arith.constant 0 : i32
    return %arg0, %c0_i32 : i32, i32
  }
  func.func @transform_3(%arg0: i32) -> (i32, i32) {
    %c0_i32 = arith.constant 0 : i32
    %c0_i32_0 = arith.constant 0 : i32
    return %arg0, %c0_i32 : i32, i32
  }
  func.func @transform_4(%arg0: i32) -> (i32, i32) {
    %c0_i32 = arith.constant 0 : i32
    %c0_i32_0 = arith.constant 0 : i32
    return %arg0, %c0_i32 : i32, i32
  }
  func.func @transform_5(%arg0: i32) -> (i32, i32) {
    %c0_i32 = arith.constant 0 : i32
    %c0_i32_0 = arith.constant 0 : i32
    %c0_i32_1 = arith.constant 0 : i32
    return %c0_i32, %c0_i32_0 : i32, i32
  }
  func.func @transform_6(%arg0: i32) -> (i32, i32) {
    %c0_i32 = arith.constant 0 : i32
    %c0_i32_0 = arith.constant 0 : i32
    return %arg0, %c0_i32 : i32, i32
  }
}

</mosaic_0001>

<sc_bundles>
// kernel: kernel.6.cloned.1.call-start
scs
__scs_entry_jumppad:
0x0: {  	(pc) =	sbr.rel $0x88, $3  }
0x1: {  	(tag) =	ssettag $0x0;
	lr =	simm.s32 $0x1  }
0x2: {  	[smem:$0x3F9D] =	sst lr;
	_ =	strace $0xD0000000  }
0x3: {  	_ = 	snop  }
0x4: {  	_ = 	snop  }
0x5: {  	_ = 	snop  }
0x6: {  	_ = 	snop  }
0x7: {  	_ = 	snop  }
__scs_overlays_trampoline_lowered:
0x8: {  	[smem:$0x3FAC] =	sst s0  }
0x9: {  	[smem:$0x3FAD] =	sst s1  }
0xa: {  	[smem:$0x3FAE] =	sst s2  }
0xb: {  	[smem:$0x3FAF] =	sst s3  }
0xc: {  	[smem:$0x3FB0] =	sst s4  }
0xd: {  	[smem:$0x3FB1] =	sst s5  }
0xe: {  	[smem:$0x3FB2] =	sst s6  }
0xf: {  	[smem:$0x3FB3] =	sst s7  }
0x10: {  	[smem:$0x3FB4] =	sst s8  }
0x11: {  	[smem:$0x3FB5] =	sst s9;
	s0 =	simm.s32 @!p0 $0x0  }
0x12: {  	s1 =	sld [smem:$0x3F9B];
	s0 =	simm.s32 @p0 $0x1  }
0x13: {  	[smem:$0x3FB6] =	sst s0;
	s0 =	simm.s32 @!p1 $0x0  }
0x14: {  	s2 =	sld [smem:$0x3F9A];
	s0 =	simm.s32 @p1 $0x1  }
0x15: {  	[smem:$0x3FB7] =	sst s0;
	s0 =	simm.s32 @!p2 $0x0  }
0x16: {  	s3 =	sld [smem:$0x3FDB];
	s0 =	simm.s32 @p2 $0x1  }
0x17: {  	s4 =	simm.s32 $0x1BF5;
	[smem:$0x3FB9] =	sst s0  }
0x18: {  	s0 =	sld [smem:$0x3F9C];
	_ =	swait.ge [sflag:s4], $0x0  }
0x19: {  	s7 =	sld [smem:$0x3F9D]  }
0x1a: {  	s8 =	sadd.s32 $0xFFFFE003, lr  }
0x1b: {  	s9 =	sadd.s32 $0xFFFFFEF7, lr;
	s5 =	simm.s32 $0xFFFFFFFF;
	p2 =	slt.u32 s8, $0xFFFFF086  }
0x1c: {  	p1 =	slt.u32 s9, $0xF7A;
	s5 =	simm.s32 @!p2 $0x0  }
0x1d: {  	s5 =	simm.s32 @p1 $0x1;
	p0 =	seq.s32 s7, s2  }
0x1e: {  	s7 =	smul.u32 @!p0 $0xF7A, s2;
	p2 =	seq.s32 @!p0 s5, $0x0  }
0x1f: {  	s9 =	smul.u32 $0xF7A, s1;
	s8 =	simm.s32 @!p0 $0x1BF5;
	p2 =	por !p2, p0  }
0x20: {  	[sflag:s8] =	ssyncset.s32 @!p0 $0xFFFFF086;
	s6 =	sadd.s32 @!p0 s3, s7;
	s7 =	simm.s32 @!p0 $0x108  }
0x21: {  	s3 =	sadd.s32 s3, s9;
	s6 =	sadd.s32 @!p0 $0x88, s6;
	s7 =	simm.s32 @p2 $0x1082  }
0x22: {  	[simem:s7], [sflag:s8] =	dma.local @!p0 [hbm:s6], $0xF7A  }
0x23: {  	s9 =	sor.u32 $0xD0000000, s2;
	s6 =	simm.s32 $0x108;
	_ =	swait.ge @!p0 [sflag:s8], $0x0  }
0x24: {  	s3 =	sadd.s32 $0x88, s3;
	s6 =	simm.s32 @!p1 $0x1082;
	[sflag:s4] =	ssyncset.s32 $0xFFFFF086  }
0x25: {  	[simem:s6], [sflag:s4] =	dma.local [hbm:s3], $0xF7A  }
0x26: {  	[smem:$0x3F9D] =	sst s1;
	(tag) =	ssettag s2;
	_ =	strace s9  }
0x27: {  	s1 =	sld [smem:$0x3FAD]  }
0x28: {  	s2 =	sld [smem:$0x3FAE]  }
0x29: {  	s4 =	sld [smem:$0x3FB0]  }
0x2a: {  	p0 =	seq.s32 s5, $0x0;
	s5 =	sld [smem:$0x3FB1]  }
0x2b: {  	s6 =	sld [smem:$0x3FB2]  }
0x2c: {  	s7 =	sld [smem:$0x3FB3]  }
0x2d: {  	s3 =	simm.s32 $0x108;
	s8 =	sld [smem:$0x3FB4]  }
0x2e: {  	s3 =	simm.s32 @!p0 $0x1082;
	s9 =	sld [smem:$0x3FB5]  }
0x2f: {  	lr =	sadd.s32 s0, s3;
	s0 =	sld [smem:$0x3FAC]  }
0x30: {  	s3 =	sld [smem:$0x3FAF]  }
0x31: {  	[smem:$0x3FB8] =	sst s10  }
0x32: {  	s10 =	sld [smem:$0x3FB6];
	_ =	sdelay $0x3  }
0x33: {  	p0 =	seq.s32 s10, $0x1;
	s10 =	sld [smem:$0x3FB8];
	_ =	sdelay $0x3  }
0x34: {  	[smem:$0x3FB8] =	sst s10  }
0x35: {  	s10 =	sld [smem:$0x3FB7];
	_ =	sdelay $0x3  }
0x36: {  	p1 =	seq.s32 s10, $0x1;
	s10 =	sld [smem:$0x3FB8];
	_ =	sdelay $0x3  }
0x37: {  	[smem:$0x3FB8] =	sst s10  }
0x38: {  	s10 =	sld [smem:$0x3FB9]  }
0x39: {  	_ = 	snop;
	(pc) =	sbr.ind lr, $3  }
0x3a: {  	_ = 	snop  }
0x3b: {  	_ = 	snop  }
0x3c: {  	p2 =	seq.s32 s10, $0x1;
	s10 =	sld [smem:$0x3FB8]  }
0x3d: {  	_ =	shalt  }
0x3e: {  	_ =	shalt  }
0x3f: {  	_ =	shalt  }
0x40: {  	_ =	shalt  }
0x41: {  	_ =	shalt  }
0x42: {  	_ =	shalt  }
0x43: {  	_ =	shalt  }
0x44: {  	_ =	shalt  }
0x45: {  	_ =	shalt  }
0x46: {  	_ =	shalt  }
0x47: {  	_ =	shalt  }
0x48: {  	_ =	shalt  }
0x49: {  	_ =	shalt  }
0x4a: {  	_ =	shalt  }
0x4b: {  	_ =	shalt  }
0x4c: {  	_ =	shalt  }
0x4d: {  	_ =	shalt  }
0x4e: {  	_ =	shalt  }
0x4f: {  	_ =	shalt  }
0x50: {  	_ =	shalt  }
0x51: {  	_ =	shalt  }
0x52: {  	_ =	shalt  }
0x53: {  	_ =	shalt  }
0x54: {  	_ =	shalt  }
0x55: {  	_ =	shalt  }
0x56: {  	_ =	shalt  }
0x57: {  	_ =	shalt  }
0x58: {  	_ =	shalt  }
0x59: {  	_ =	shalt  }
0x5a: {  	_ =	shalt  }
0x5b: {  	_ =	shalt  }
0x5c: {  	_ =	shalt  }
0x5d: {  	_ =	shalt  }
0x5e: {  	_ =	shalt  }
0x5f: {  	_ =	shalt  }
0x60: {  	_ =	shalt  }
0x61: {  	_ =	shalt  }
0x62: {  	_ =	shalt  }
0x63: {  	_ =	shalt  }
0x64: {  	_ =	shalt  }
0x65: {  	_ =	shalt  }
0x66: {  	_ =	shalt  }
0x67: {  	_ =	shalt  }
0x68: {  	_ =	shalt  }
0x69: {  	_ =	shalt  }
0x6a: {  	_ =	shalt  }
0x6b: {  	_ =	shalt  }
0x6c: {  	_ =	shalt  }
0x6d: {  	_ =	shalt  }
0x6e: {  	_ =	shalt  }
0x6f: {  	_ =	shalt  }
0x70: {  	_ =	shalt  }
0x71: {  	_ =	shalt  }
0x72: {  	_ =	shalt  }
0x73: {  	_ =	shalt  }
0x74: {  	_ =	shalt  }
0x75: {  	_ =	shalt  }
0x76: {  	_ =	shalt  }
0x77: {  	_ =	shalt  }
0x78: {  	_ =	shalt  }
0x79: {  	_ =	shalt  }
0x7a: {  	_ =	shalt  }
0x7b: {  	_ =	shalt  }
0x7c: {  	_ =	shalt  }
0x7d: {  	_ =	shalt  }
0x7e: {  	_ =	shalt  }
0x7f: {  	_ =	shalt  }
0x80: {  	_ =	shalt  }
0x81: {  	_ =	shalt  }
0x82: {  	_ =	shalt  }
0x83: {  	_ =	shalt  }
0x84: {  	_ =	shalt  }
0x85: {  	_ =	shalt  }
0x86: {  	_ =	shalt  }
0x87: {  	_ =	shalt  }
.Lfunc_end0:
.L_simem_size_0:
called_computation_lowered:
.L_overlay_start_0:
0x88: {  	s2 =	sld [smem:$0x3FD9]  }
0x89: {  	s3 =	sld [smem:$0x3FFE];
	_ =	sdelay $0x1  }
0x8a: {  	s1 =	srdreg.scid  }
0x8b: {  	s0 =	sand.u32 $0x1, s1  }
0x8c: {  	s17 =	sshll.u32 s0, $0xA;
	s2 =	sadd.s32 s3, s2  }
0x8d: {  	s2 =	sadd.s32 s2, s17  }
0x8e: {  	[smem:$0x3FC4] =	sst s2  }
0x8f: {  	_ = 	snop  }
0x90: {  	s2 =	sld [smem:$0x3FD0];
	(tm) =	ssettm $0x1  }
0x91: {  	s18 =	sld [smem:$0x3FFB];
	_ =	sdelay $0x3  }
0x92: {  	_ =	strace s18  }
0x93: {  	s3 =	sld [smem:$0x3FFC];
	_ =	sdelay $0x3  }
0x94: {  	_ =	strace s3  }
0x95: {  	s3 =	sld [smem:$0x3FFD];
	_ =	sdelay $0x3  }
0x96: {  	_ =	strace s3  }
0x97: {  	_ =	strace $0x8FFFFFFF  }
0x98: {  	s19 =	sld [smem:$0x3FDB];
	_ =	sdelay $0x1  }
0x99: {  	s4 =	simm.s32 $_scs_section_size  }
0x9a: {  	s5 =	simm.s32 $_size__tile_overlayer_lowered;
	s6 =	simm.s32 $_tile_overlayer_lowered  }
0x9b: {  	s22 =	simm.s32 $0x1BFF;
	s21 =	sshll.u32 s6, $0x1;
	s3 =	sadd.s32 s4, s19  }
0x9c: {  	s7 =	simm.s32 $0x0;
	s20 =	sshll.u32 s5, $0x1;
	s5 =	sadd.s32 s21, s3  }
0x9d: {  	[timem:s7], [sflag:s22] =	dma.local [hbm:s5], s20  }
0x9e: {  	_ =	swait.ge [sflag:s22], s20  }
0x9f: {  	s4 =	ssub.s32 $0x0, s20;
	[sflag:s22] =	ssyncset.done $0x0  }
0xa0: {  	[sflag:s22] =	ssyncadd.s32 s4;
	_ =	sdelay $0x1  }
0xa1: {  	s23 =	simm.s32 $0x1B8B  }
0xa2: {  	_ =	swait.ge [sflag:s23], $0x1  }
0xa3: {  	[sflag:s23] =	ssyncset.done $0x0  }
0xa4: {  	s25 =	simm.s32 $0x1B8E;
	s24 =	sld [smem:$0x3FFE];
	[sflag:s23] =	ssyncadd.s32 $0xFFFFFFFF  }
0xa5: {  	s26 =	simm.s32 $execute0_lowered;
	[smem:$0x3FD2] =	sst s25  }
0xa6: {  	s5 =	sshll.u32 s26, $0x1;
	_ =	strace $0x80000046;
	[dreg:$0x1] =	wrdreg $0xFFFFFFFF  }
0xa7: {  	s28 =	simm.s32 $_size_execute0_lowered;
	s3 =	sadd.s32 s3, s5;
	[dreg:$0x0] =	wrdreg $0x0  }
0xa8: {  	s5 =	sshll.u32 s28, $0x1;
	[dreg:$0x2] =	wrdreg s3  }
0xa9: {  	[dreg:$0x3] =	wrdreg s5  }
0xaa: {  	[dreg:$0x4] =	wrdreg $0xC0  }
0xab: {  	_ =	task [dreg:s7], $0x5FFFF  }
0xac: {  	[dreg:$0x1] =	wrdreg $0xFFFFFFFF  }
0xad: {  	[dreg:$0x0] =	wrdreg $0x60  }
0xae: {  	[dreg:$0x2] =	wrdreg s2  }
0xaf: {  	[dreg:$0x3] =	wrdreg s24  }
0xb0: {  	[dreg:$0x4] =	wrdreg $0x40800  }
0xb1: {  	[dreg:$0x5] =	wrdreg $0x9  }
0xb2: {  	_ =	task.clear_ibuf [dreg:s7], $0x6FFFF;
	_ =	strace $0x90000046  }
0xb3: {  	s29 =	simm.s32 $0x9;
	_ =	strace $0x80000048  }
0xb4: {  	_ =	swait.ge [sflag:s29], $0x1  }
0xb5: {  	[sflag:s29] =	ssyncadd.s32 $0xFFFFFFFF  }
0xb6: {  	_ =	strace $0x90000048  }
0xb7: {  	_ =	sfence  }
0xb8: {  	s30 =	sld [smem:$0x0];
	_ =	sdelay $0x2  }
0xb9: {  	s31 =	sshll.u32 s1, $0xD;
	s1 =	sshrl.u32 s1, $0x2  }
0xba: {  	s3 =	sand.u32 $0x4000, s31;
	s1 =	sadd.s32 s1, s30  }
0xbb: {  	s0 =	sor.u32 s3, s0;
	s1 =	sshll.u32 s1, $0x11  }
0xbc: {  	s0 =	sor.u32 s1, s0  }
0xbd: {  	s0 =	sadd.s32 $0x8F2B, s0  }
0xbe: {  	[sflag:s0] =	ssyncadd.remote.s32 $0x1  }
0xbf: {  	_ =	sfence.sel $0xFFFF  }
0xc0: {  	[dreg:$0x0] =	wrdreg $0xFFFFFFFF;
	(pc) =	sbr.abs _section_cstart, $3  }
0xc1: {  	[dreg:$0x1] =	wrdreg $0xFFFFFFFF  }
0xc2: {  	_ =	task.clear_ibuf [dreg:s7], $0x2FFFF;
	_ =	strace $0x9FFFFFFF  }
0xc3: {  	(tm) =	ssettm $0x7FFFFFFF  }
tec
execute0_lowered:
.L_overlay_start_1:
0x0: {  	(tag) =	ssettag $0x1  }
0x1: {  	s6 =	rddreg [dreg:$0x0]  }
0x2: {  	s7 =	rddreg [dreg:$0x1]  }
0x3: {  	s2 =	rddreg [dreg:$0x2]  }
0x4: {  	s0 =	rddreg [dreg:$0x3];
	s3 =	simm.s32 $0x0;
	s4 =	srdreg.scid  }
0x5: {  	s1 =	stileid.u32;
	s13 =	simm.s32 $0x50;
	s14 =	simm.s32 $0x1  }
0x6: {  	s15 =	simm.s32 $0x20;
	s16 =	simm.s32 $0x10;
	s17 =	simm.s32 $0x0  }
0x7: {  	[smem:$0x7FF] =	sst s3;
	s8 =	sand.u32 $0x1, s4;
	s5 =	smul.u32 $0x500, s1  }
0x8: {  	s4 =	sadd.s32 $0x1600, s7;
	s10 =	smul.u32 $0xA00, s1;
	s31 =	sshll.u32 s1, $0x6  }
0x9: {  	s12 =	sshll.u32 s1, $0xC;
	_ =	strace $0x80000047;
	s9 =	sshll.u32 s8, $0x7  }
0xa: {  	s11 =	ssub.s32 $0x2, s8;
	s30 =	sshll.u32 s8, $0xB;
	s9 =	sor.u32 s9, s5  }
0xb: {  	s5 =	sadd.s32 $0x1800, s7;
	s29 =	sshrl.u32 s11, $0x1;
	s10 =	sshrl.u32 s10, $0x2  }
0xc: {  	s9 =	sshrl.u32 s9, $0x3;
	s11 =	ssub.s32 s11, s29;
	s10 =	sadd.s32 s10, s2  }
0xd: {  	s9 =	sadd.s32 s9, s7;
	s7 =	sadd.s32 s6, s30;
	s6 =	sor.u32 $0x1C02, s31  }
0xe: {  	s10 =	sshrl.u32 s10, $0x3;
	s7 =	sadd.s32 s12, s7;
	s8 =	sadd.s32 $0x1A00, s9  }
0xf: {  	s9 =	smax.u32 s11, $0x1;
	s11 =	simm.s32 $0x2;
	s12 =	simm.s32 $0x4000  }
.LBB2_1:
0x10: {  	[spmem:s10], [sflag:s6] =	dma.local [hbm:s5], $0x50  }
0x11: {  	_ =	swait.ge [sflag:s11], $0x50  }
0x12: {  	[sflag:s11] =	ssyncset.done $0x0  }
0x13: {  	[sflag:s11] =	ssyncadd.s32 $0xFFFFFFB0  }
0x14: {  	[tilespmem:s12], [sflag:$0x2] =	stream.linear.gather [hbm4b:s4+s3], $0x80, $0x38;
	[tilespmem:$0x4300] =	vst v63  }
0x15: {  	_ =	swait.ge [sflag:s11], $0x80  }
0x16: {  	[sflag:s11] =	ssyncset.done $0x0  }
0x17: {  	[sflag:s11] =	ssyncadd.s32 $0xFFFFFF80  }
0x18: {  	[tilespmem:s3], [sflag:$0x2] =	stream.linear.gather [hbm4b:s7+s3], $0x3E80, $0x38;
	[tilespmem:$0x4300] =	vst v63  }
0x19: {  	_ =	swait.ge [sflag:s11], $0x3E80  }
0x1a: {  	[sflag:s11] =	ssyncset.done $0x0  }
0x1b: {  	[sflag:s11] =	ssyncadd.s32 $0xFFFFC180  }
0x1c: {  	s18 =	simm.s32 $0x0;
	[bflag:$0x0] =	sbarrier.arrive $0xFFFF  }
.LBB2_2:
0x1d: {  	p0 =	sne.s32 s18, $0xF800  }
.Ltmp0:
0x1e: {  	_ = 	snop;
	(pc) =	sbr.rel @p0 .LBB2_2-.Ltmp0, $3  }
0x1f: {  	_ =	sdelay $0x1  }
0x20: {  	s19 =	sshra.s32 s18, $0x2;
	s18 =	sadd.s32 $0x200, s18  }
0x21: {  	[spmem:s2] =	stream.indirect.scatter.add.f32 [tilespmem:s12], [sflag:$0x1], $0x1, s19, s13, $0xb8;
	[tilespmem:$0x4300] =	vst v63  }
0x22: {  	_ =	swait.ge [sflag:s14], $0x50  }
0x23: {  	s18 =	simm.s32 $0x7C;
	[sflag:s14] =	ssyncset.done $0x0  }
.LBB2_4:
0x24: {  	p0 =	sne.s32 s18, $0x1;
	s18 =	sadd.s32 $0xFFFFFFFF, s18;
	[sflag:s14] =	ssyncadd.s32 $0xFFFFFFB0  }
.Ltmp1:
0x25: {  	(pc) =	sbr.rel @p0 .LBB2_4-.Ltmp1, $3  }
0x26: {  	_ =	sdelay $0x1  }
0x27: {  	_ =	swait.ge [sflag:s14], $0x50  }
0x28: {  	[sflag:s14] =	ssyncset.done $0x0  }
0x29: {  	s17 =	sadd.s32 $0x1, s17  }
0x2a: {  	[sflag:s14] =	ssyncadd.s32 $0xFFFFFFB0;
	p0 =	sne.s32 s17, s9  }
.Ltmp2:
0x2b: {  	[bflag:$0x0] =	sbarrier.arrive $0xFFFF;
	(pc) =	sbr.rel @p0 .LBB2_1-.Ltmp2, $4  }
0x2c: {  	[hbm:s8@s15], [sflag:s6] =	dma.strided [spmem:s10@s16], $0x50, s14, $0x10   }
0x2d: {  	_ =	swait.ge [sflag:s11], $0x50  }
0x2e: {  	[sflag:s11] =	ssyncset.done $0x0  }
0x2f: {  	[sflag:s11] =	ssyncadd.s32 $0xFFFFFFB0  }
0x30: {  	_ =	sfence.sel $0x180000  }
0x31: {  	[bflag:$0x0] =	sbarrier.arrive $0xFFFF  }
0x32: {  	p0 =	sne.s32 s1, $0x0;
	_ =	strace $0x90000047  }
0x33: {  	s0 =	sadd.s32 @!p0 $0x100000, s0;
	[bflag:$0x2] =	sbarrier.arrive $0xFFFF  }
0x34: {  	[sflag:s0] =	ssyncadd.tile.s32 @!p0 $0x1;
	_ =	shalt  }
.Lfunc_end2:
_tile_overlayer_lowered:
.L_overlay_start_2:
0x35: {  	(tag) =	ssettag $0x2  }
0x36: {  	s0 =	rddreg [dreg:$0x0];
	s2 =	stileid.u32  }
0x37: {  	s1 =	rddreg [dreg:$0x1];
	p0 =	sne.s32 s2, $0x0  }
0x38: {  	s3 =	rddreg [dreg:$0x2];
	[bflag:$0x3] =	sbarrier.arrive $0xFFFF;
	s2 =	simm.s32 @!p0 $0x1C02  }
0x39: {  	[timem:s3], [sflag:s2] =	dma.local @!p0 [hbm:s0], s1  }
0x3a: {  	s0 =	simm.s32 @!p0 $0x2  }
0x3b: {  	_ =	swait.ge @!p0 [sflag:s0], s1  }
0x3c: {  	s1 =	ssub.s32 @!p0 $0x0, s1;
	[sflag:s0] =	ssyncset.done @!p0 $0x0  }
0x3d: {  	[sflag:s0] =	ssyncadd.s32 @!p0 s1  }
0x3e: {  	[bflag:$0x3] =	sbarrier.arrive $0xFFFF  }
0x3f: {  	_ =	shalt  }

// kernel: kernel.9.cloned.1.call-start
scs
__scs_entry_jumppad:
0x0: {  	(pc) =	sbr.rel $0x88, $3  }
0x1: {  	(tag) =	ssettag $0x0;
	lr =	simm.s32 $0x1  }
0x2: {  	[smem:$0x3F9D] =	sst lr;
	_ =	strace $0xD0000000  }
0x3: {  	_ = 	snop  }
0x4: {  	_ = 	snop  }
0x5: {  	_ = 	snop  }
0x6: {  	_ = 	snop  }
0x7: {  	_ = 	snop  }
__scs_overlays_trampoline_lowered:
0x8: {  	[smem:$0x3FAC] =	sst s0  }
0x9: {  	[smem:$0x3FAD] =	sst s1  }
0xa: {  	[smem:$0x3FAE] =	sst s2  }
0xb: {  	[smem:$0x3FAF] =	sst s3  }
0xc: {  	[smem:$0x3FB0] =	sst s4  }
0xd: {  	[smem:$0x3FB1] =	sst s5  }
0xe: {  	[smem:$0x3FB2] =	sst s6  }
0xf: {  	[smem:$0x3FB3] =	sst s7  }
0x10: {  	[smem:$0x3FB4] =	sst s8  }
0x11: {  	[smem:$0x3FB5] =	sst s9;
	s0 =	simm.s32 @!p0 $0x0  }
0x12: {  	s1 =	sld [smem:$0x3F9B];
	s0 =	simm.s32 @p0 $0x1  }
0x13: {  	[smem:$0x3FB6] =	sst s0;
	s0 =	simm.s32 @!p1 $0x0  }
0x14: {  	s2 =	sld [smem:$0x3F9A];
	s0 =	simm.s32 @p1 $0x1  }
0x15: {  	[smem:$0x3FB7] =	sst s0;
	s0 =	simm.s32 @!p2 $0x0  }
0x16: {  	s3 =	sld [smem:$0x3FDB];
	s0 =	simm.s32 @p2 $0x1  }
0x17: {  	s4 =	simm.s32 $0x1BF5;
	[smem:$0x3FB9] =	sst s0  }
0x18: {  	s0 =	sld [smem:$0x3F9C];
	_ =	swait.ge [sflag:s4], $0x0  }
0x19: {  	s7 =	sld [smem:$0x3F9D]  }
0x1a: {  	s8 =	sadd.s32 $0xFFFFE003, lr  }
0x1b: {  	s9 =	sadd.s32 $0xFFFFFEF7, lr;
	s5 =	simm.s32 $0xFFFFFFFF;
	p2 =	slt.u32 s8, $0xFFFFF086  }
0x1c: {  	p1 =	slt.u32 s9, $0xF7A;
	s5 =	simm.s32 @!p2 $0x0  }
0x1d: {  	s5 =	simm.s32 @p1 $0x1;
	p0 =	seq.s32 s7, s2  }
0x1e: {  	s7 =	smul.u32 @!p0 $0xF7A, s2;
	p2 =	seq.s32 @!p0 s5, $0x0  }
0x1f: {  	s9 =	smul.u32 $0xF7A, s1;
	s8 =	simm.s32 @!p0 $0x1BF5;
	p2 =	por !p2, p0  }
0x20: {  	[sflag:s8] =	ssyncset.s32 @!p0 $0xFFFFF086;
	s6 =	sadd.s32 @!p0 s3, s7;
	s7 =	simm.s32 @!p0 $0x108  }
0x21: {  	s3 =	sadd.s32 s3, s9;
	s6 =	sadd.s32 @!p0 $0x88, s6;
	s7 =	simm.s32 @p2 $0x1082  }
0x22: {  	[simem:s7], [sflag:s8] =	dma.local @!p0 [hbm:s6], $0xF7A  }
0x23: {  	s9 =	sor.u32 $0xD0000000, s2;
	s6 =	simm.s32 $0x108;
	_ =	swait.ge @!p0 [sflag:s8], $0x0  }
0x24: {  	s3 =	sadd.s32 $0x88, s3;
	s6 =	simm.s32 @!p1 $0x1082;
	[sflag:s4] =	ssyncset.s32 $0xFFFFF086  }
0x25: {  	[simem:s6], [sflag:s4] =	dma.local [hbm:s3], $0xF7A  }
0x26: {  	[smem:$0x3F9D] =	sst s1;
	(tag) =	ssettag s2;
	_ =	strace s9  }
0x27: {  	s1 =	sld [smem:$0x3FAD]  }
0x28: {  	s2 =	sld [smem:$0x3FAE]  }
0x29: {  	s4 =	sld [smem:$0x3FB0]  }
0x2a: {  	p0 =	seq.s32 s5, $0x0;
	s5 =	sld [smem:$0x3FB1]  }
0x2b: {  	s6 =	sld [smem:$0x3FB2]  }
0x2c: {  	s7 =	sld [smem:$0x3FB3]  }
0x2d: {  	s3 =	simm.s32 $0x108;
	s8 =	sld [smem:$0x3FB4]  }
0x2e: {  	s3 =	simm.s32 @!p0 $0x1082;
	s9 =	sld [smem:$0x3FB5]  }
0x2f: {  	lr =	sadd.s32 s0, s3;
	s0 =	sld [smem:$0x3FAC]  }
0x30: {  	s3 =	sld [smem:$0x3FAF]  }
0x31: {  	[smem:$0x3FB8] =	sst s10  }
0x32: {  	s10 =	sld [smem:$0x3FB6];
	_ =	sdelay $0x3  }
0x33: {  	p0 =	seq.s32 s10, $0x1;
	s10 =	sld [smem:$0x3FB8];
	_ =	sdelay $0x3  }
0x34: {  	[smem:$0x3FB8] =	sst s10  }
0x35: {  	s10 =	sld [smem:$0x3FB7];
	_ =	sdelay $0x3  }
0x36: {  	p1 =	seq.s32 s10, $0x1;
	s10 =	sld [smem:$0x3FB8];
	_ =	sdelay $0x3  }
0x37: {  	[smem:$0x3FB8] =	sst s10  }
0x38: {  	s10 =	sld [smem:$0x3FB9]  }
0x39: {  	_ = 	snop;
	(pc) =	sbr.ind lr, $3  }
0x3a: {  	_ = 	snop  }
0x3b: {  	_ = 	snop  }
0x3c: {  	p2 =	seq.s32 s10, $0x1;
	s10 =	sld [smem:$0x3FB8]  }
0x3d: {  	_ =	shalt  }
0x3e: {  	_ =	shalt  }
0x3f: {  	_ =	shalt  }
0x40: {  	_ =	shalt  }
0x41: {  	_ =	shalt  }
0x42: {  	_ =	shalt  }
0x43: {  	_ =	shalt  }
0x44: {  	_ =	shalt  }
0x45: {  	_ =	shalt  }
0x46: {  	_ =	shalt  }
0x47: {  	_ =	shalt  }
0x48: {  	_ =	shalt  }
0x49: {  	_ =	shalt  }
0x4a: {  	_ =	shalt  }
0x4b: {  	_ =	shalt  }
0x4c: {  	_ =	shalt  }
0x4d: {  	_ =	shalt  }
0x4e: {  	_ =	shalt  }
0x4f: {  	_ =	shalt  }
0x50: {  	_ =	shalt  }
0x51: {  	_ =	shalt  }
0x52: {  	_ =	shalt  }
0x53: {  	_ =	shalt  }
0x54: {  	_ =	shalt  }
0x55: {  	_ =	shalt  }
0x56: {  	_ =	shalt  }
0x57: {  	_ =	shalt  }
0x58: {  	_ =	shalt  }
0x59: {  	_ =	shalt  }
0x5a: {  	_ =	shalt  }
0x5b: {  	_ =	shalt  }
0x5c: {  	_ =	shalt  }
0x5d: {  	_ =	shalt  }
0x5e: {  	_ =	shalt  }
0x5f: {  	_ =	shalt  }
0x60: {  	_ =	shalt  }
0x61: {  	_ =	shalt  }
0x62: {  	_ =	shalt  }
0x63: {  	_ =	shalt  }
0x64: {  	_ =	shalt  }
0x65: {  	_ =	shalt  }
0x66: {  	_ =	shalt  }
0x67: {  	_ =	shalt  }
0x68: {  	_ =	shalt  }
0x69: {  	_ =	shalt  }
0x6a: {  	_ =	shalt  }
0x6b: {  	_ =	shalt  }
0x6c: {  	_ =	shalt  }
0x6d: {  	_ =	shalt  }
0x6e: {  	_ =	shalt  }
0x6f: {  	_ =	shalt  }
0x70: {  	_ =	shalt  }
0x71: {  	_ =	shalt  }
0x72: {  	_ =	shalt  }
0x73: {  	_ =	shalt  }
0x74: {  	_ =	shalt  }
0x75: {  	_ =	shalt  }
0x76: {  	_ =	shalt  }
0x77: {  	_ =	shalt  }
0x78: {  	_ =	shalt  }
0x79: {  	_ =	shalt  }
0x7a: {  	_ =	shalt  }
0x7b: {  	_ =	shalt  }
0x7c: {  	_ =	shalt  }
0x7d: {  	_ =	shalt  }
0x7e: {  	_ =	shalt  }
0x7f: {  	_ =	shalt  }
0x80: {  	_ =	shalt  }
0x81: {  	_ =	shalt  }
0x82: {  	_ =	shalt  }
0x83: {  	_ =	shalt  }
0x84: {  	_ =	shalt  }
0x85: {  	_ =	shalt  }
0x86: {  	_ =	shalt  }
0x87: {  	_ =	shalt  }
.Lfunc_end0:
.L_simem_size_0:
called_computation.1_lowered:
.L_overlay_start_0:
0x88: {  	s2 =	sld [smem:$0x3FD9]  }
0x89: {  	s3 =	sld [smem:$0x3FFE];
	_ =	sdelay $0x1  }
0x8a: {  	s1 =	srdreg.scid  }
0x8b: {  	s0 =	sand.u32 $0x1, s1  }
0x8c: {  	s17 =	sshll.u32 s0, $0xA;
	s2 =	sadd.s32 s3, s2  }
0x8d: {  	s2 =	sadd.s32 s2, s17  }
0x8e: {  	[smem:$0x3FC4] =	sst s2  }
0x8f: {  	_ = 	snop  }
0x90: {  	s2 =	sld [smem:$0x3FD0];
	(tm) =	ssettm $0x1  }
0x91: {  	s18 =	sld [smem:$0x3FFB];
	_ =	sdelay $0x3  }
0x92: {  	_ =	strace s18  }
0x93: {  	s3 =	sld [smem:$0x3FFC];
	_ =	sdelay $0x3  }
0x94: {  	_ =	strace s3  }
0x95: {  	s3 =	sld [smem:$0x3FFD];
	_ =	sdelay $0x3  }
0x96: {  	_ =	strace s3  }
0x97: {  	_ =	strace $0x8FFFFFFF  }
0x98: {  	s19 =	sld [smem:$0x3FDB];
	_ =	sdelay $0x1  }
0x99: {  	s4 =	simm.s32 $_scs_section_size  }
0x9a: {  	s5 =	simm.s32 $_size__tile_overlayer_lowered;
	s6 =	simm.s32 $_tile_overlayer_lowered  }
0x9b: {  	s22 =	simm.s32 $0x1BFF;
	s21 =	sshll.u32 s6, $0x1;
	s3 =	sadd.s32 s4, s19  }
0x9c: {  	s7 =	simm.s32 $0x0;
	s20 =	sshll.u32 s5, $0x1;
	s5 =	sadd.s32 s21, s3  }
0x9d: {  	[timem:s7], [sflag:s22] =	dma.local [hbm:s5], s20  }
0x9e: {  	_ =	swait.ge [sflag:s22], s20  }
0x9f: {  	s4 =	ssub.s32 $0x0, s20;
	[sflag:s22] =	ssyncset.done $0x0  }
0xa0: {  	[sflag:s22] =	ssyncadd.s32 s4;
	_ =	sdelay $0x1  }
0xa1: {  	s23 =	simm.s32 $0x1B8B  }
0xa2: {  	_ =	swait.ge [sflag:s23], $0x1  }
0xa3: {  	[sflag:s23] =	ssyncset.done $0x0  }
0xa4: {  	s25 =	simm.s32 $0x1B8E;
	s24 =	sld [smem:$0x3FFE];
	[sflag:s23] =	ssyncadd.s32 $0xFFFFFFFF  }
0xa5: {  	s26 =	simm.s32 $execute0_lowered;
	[smem:$0x3FD2] =	sst s25  }
0xa6: {  	s5 =	sshll.u32 s26, $0x1;
	_ =	strace $0x80000049;
	[dreg:$0x1] =	wrdreg $0xFFFFFFFF  }
0xa7: {  	s28 =	simm.s32 $_size_execute0_lowered;
	s3 =	sadd.s32 s3, s5;
	[dreg:$0x0] =	wrdreg $0x0  }
0xa8: {  	s5 =	sshll.u32 s28, $0x1;
	[dreg:$0x2] =	wrdreg s3  }
0xa9: {  	[dreg:$0x3] =	wrdreg s5  }
0xaa: {  	[dreg:$0x4] =	wrdreg $0xC0  }
0xab: {  	_ =	task [dreg:s7], $0x5FFFF  }
0xac: {  	[dreg:$0x1] =	wrdreg $0xFFFFFFFF  }
0xad: {  	[dreg:$0x0] =	wrdreg $0x60  }
0xae: {  	[dreg:$0x2] =	wrdreg s24  }
0xaf: {  	[dreg:$0x3] =	wrdreg s2  }
0xb0: {  	[dreg:$0x4] =	wrdreg $0xB3000  }
0xb1: {  	[dreg:$0x5] =	wrdreg $0x9  }
0xb2: {  	_ =	task.clear_ibuf [dreg:s7], $0x6FFFF;
	_ =	strace $0x90000049  }
0xb3: {  	s29 =	simm.s32 $0x9;
	_ =	strace $0x8000004B  }
0xb4: {  	_ =	swait.ge [sflag:s29], $0x1  }
0xb5: {  	[sflag:s29] =	ssyncadd.s32 $0xFFFFFFFF  }
0xb6: {  	_ =	strace $0x9000004B  }
0xb7: {  	_ =	sfence  }
0xb8: {  	s30 =	sld [smem:$0x0];
	_ =	sdelay $0x2  }
0xb9: {  	s31 =	sshll.u32 s1, $0xD;
	s1 =	sshrl.u32 s1, $0x2  }
0xba: {  	s3 =	sand.u32 $0x4000, s31;
	s1 =	sadd.s32 s1, s30  }
0xbb: {  	s0 =	sor.u32 s3, s0;
	s1 =	sshll.u32 s1, $0x11  }
0xbc: {  	s0 =	sor.u32 s1, s0  }
0xbd: {  	s0 =	sadd.s32 $0x8F2B, s0  }
0xbe: {  	[sflag:s0] =	ssyncadd.remote.s32 $0x1  }
0xbf: {  	_ =	sfence.sel $0xFFFF  }
0xc0: {  	[dreg:$0x0] =	wrdreg $0xFFFFFFFF;
	(pc) =	sbr.abs _section_cstart, $3  }
0xc1: {  	[dreg:$0x1] =	wrdreg $0xFFFFFFFF  }
0xc2: {  	_ =	task.clear_ibuf [dreg:s7], $0x2FFFF;
	_ =	strace $0x9FFFFFFF  }
0xc3: {  	(tm) =	ssettm $0x7FFFFFFF  }
tec
execute0_lowered:
.L_overlay_start_1:
0x0: {  	(tag) =	ssettag $0x1  }
0x1: {  	s0 =	rddreg [dreg:$0x0]  }
0x2: {  	s2 =	rddreg [dreg:$0x1]  }
0x3: {  	s3 =	rddreg [dreg:$0x2];
	s1 =	srdreg.scid  }
0x4: {  	s9 =	stileid.u32;
	s12 =	simm.s32 $0x6;
	s13 =	simm.s32 $0x80  }
0x5: {  	s14 =	simm.s32 $0x400;
	s16 =	simm.s32 $0x28;
	s17 =	simm.s32 $0x4F00  }
0x6: {  	s18 =	simm.s32 $0x6300;
	s20 =	simm.s32 $0x7700;
	s22 =	simm.s32 $0x8B00  }
0x7: {  	s28 =	simm.s32 $0x3;
	s29 =	simm.s32 $0x4;
	s30 =	simm.s32 $0x5  }
0x8: {  	s15 =	simm.s32 $0x4E40;
	s19 =	simm.s32 $0x4E68;
	s21 =	simm.s32 $0x0  }
0x9: {  	s1 =	sand.u32 $0x1, s1;
	s4 =	sshrl.u32 s9, $0x2;
	s24 =	smul.u32 $0x14000, s9  }
0xa: {  	s5 =	sshll.u32 s9, $0x8;
	s25 =	smul.u32 $0x50000, s9;
	s31 =	sshll.u32 s9, $0x6  }
0xb: {  	s6 =	smul.u32 $0x13C00, s4;
	s7 =	sshll.u32 s1, $0x7;
	s5 =	sand.u32 $0x300, s5  }
0xc: {  	s4 =	simm.s32 $0x0;
	s23 =	smul.u32 $0x140000, s1;
	s1 =	ssub.s32 $0x2, s1  }
0xd: {  	s5 =	sor.u32 s7, s5;
	[smem:$0x7FF] =	sst s4;
	s26 =	sshrl.u32 s1, $0x1  }
0xe: {  	s7 =	sshrl.u32 s25, $0x2;
	s25 =	simm.s32 $0x1;
	s5 =	sor.u32 s6, s5  }
0xf: {  	_ =	strace $0x8000004A;
	s6 =	sadd.s32 s24, s23;
	s1 =	ssub.s32 s1, s26  }
0x10: {  	s11 =	sadd.s32 s7, s3;
	s24 =	simm.s32 $0x9F00;
	s26 =	simm.s32 $0x2  }
0x11: {  	s5 =	sshrl.u32 s5, $0x3;
	s6 =	sshrl.u32 s6, $0x3;
	s10 =	smax.u32 s1, $0x1  }
0x12: {  	s11 =	sshrl.u32 s11, $0x3;
	s1 =	simm.s32 $0x4E18;
	s8 =	sadd.s32 s5, s0  }
0x13: {  	s5 =	sadd.s32 $0x3E000, s0;
	s0 =	sadd.s32 s6, s0;
	s6 =	sor.u32 $0x1C06, s31  }
0x14: {  	s7 =	sadd.s32 $0xC200, s8;
	s8 =	sadd.s32 $0x2400, s8;
	s9 =	sadd.s32 $0x40800, s0  }
.LBB2_1:
0x15: {  	[spmem:s11], [sflag:s6] =	dma.local [hbm:s5], $0x2800  }
0x16: {  	_ =	swait.ge [sflag:s12], $0x2800  }
0x17: {  	[sflag:s12] =	ssyncset.done $0x0  }
0x18: {  	[sflag:s12] =	ssyncadd.s32 $0xFFFFD800  }
0x19: {  	[tilespmem:s4], [sflag:$0x6] =	stream.strided.gather [hbm4b:s7+s13], $0x2780, s14, s13, $0x38;
	[tilespmem:$0x1F300] =	vst v63  }
0x1a: {  	_ =	swait.ge [sflag:s12], $0x2780  }
0x1b: {  	[sflag:s12] =	ssyncset.done $0x0  }
0x1c: {  	s0 =	simm.s32 $0x2780;
	[sflag:s12] =	ssyncadd.s32 $0xFFFFD880  }
0x1d: {  	[tilespmem:s0], [sflag:$0x6] =	stream.strided.gather [hbm4b:s8+s13], $0x2780, s14, s13, $0x38;
	[tilespmem:$0x1F300] =	vst v63  }
0x1e: {  	_ =	swait.ge [sflag:s12], $0x2780  }
0x1f: {  	[sflag:s12] =	ssyncset.done $0x0  }
0x20: {  	[sflag:s12] =	ssyncadd.s32 $0xFFFFD880  }
0x21: {  	[bflag:$0x0] =	sbarrier.arrive $0xFFFF  }
0x22: {  	[tilespmem:s17], [sflag:$0x1] =	stream.indirect.gather [hbm4b:s2+s16], $0x80, s4, s16, $0xb8;
	[tilespmem:$0x1F300] =	vst v63  }
0x23: {  	_ = 	snop  }
0x24: {  	[tilespmem:s18], [sflag:$0x2] =	stream.indirect.gather [hbm4b:s2+s16], $0x80, s16, s16, $0xb8;
	[tilespmem:$0x1F300] =	vst v63  }
0x25: {  	s23 =	simm.s32 $0x50  }
0x26: {  	[tilespmem:s20], [sflag:$0x3] =	stream.indirect.gather [hbm4b:s2+s16], $0x80, s23, s16, $0xb8;
	[tilespmem:$0x1F300] =	vst v63  }
0x27: {  	s23 =	simm.s32 $0x78  }
0x28: {  	[tilespmem:s22], [sflag:$0x4] =	stream.indirect.gather [hbm4b:s2+s16], $0x80, s23, s16, $0xb8;
	[tilespmem:$0x1F300] =	vst v63  }
0x29: {  	s23 =	simm.s32 $0xA0  }
0x2a: {  	[tilespmem:s24], [sflag:$0x5] =	stream.indirect.gather [hbm4b:s2+s16], $0x80, s23, s16, $0xb8;
	[tilespmem:$0x1F300] =	vst v63  }
0x2b: {  	_ =	swait.ge [sflag:s25], $0x1400  }
0x2c: {  	[sflag:s25] =	ssyncset.done $0x0  }
0x2d: {  	s23 =	simm.s32 $0x2780;
	[sflag:s25] =	ssyncadd.s32 $0xFFFFEC00  }
0x2e: {  	[spmem:s3] =	stream.indirect.scatter.add.f32 [tilespmem:s17], [sflag:$0x6], $0x80, s23, s16, $0xb8;
	[tilespmem:$0x1F300] =	vst v63  }
0x2f: {  	_ =	swait.ge [sflag:s12], $0x1400  }
0x30: {  	[sflag:s12] =	ssyncset.done $0x0  }
0x31: {  	s0 =	simm.s32 $0xC8;
	[sflag:s12] =	ssyncadd.s32 $0xFFFFEC00  }
0x32: {  	[tilespmem:s17], [sflag:$0x1] =	stream.indirect.gather [hbm4b:s2+s16], $0x80, s0, s16, $0xb8;
	[tilespmem:$0x1F300] =	vst v63  }
0x33: {  	_ =	swait.ge [sflag:s26], $0x1400  }
0x34: {  	[sflag:s26] =	ssyncset.done $0x0  }
0x35: {  	s0 =	simm.s32 $0x27A8;
	[sflag:s26] =	ssyncadd.s32 $0xFFFFEC00  }
0x36: {  	[spmem:s3] =	stream.indirect.scatter.add.f32 [tilespmem:s18], [sflag:$0x6], $0x80, s0, s16, $0xb8;
	[tilespmem:$0x1F300] =	vst v63  }
0x37: {  	_ =	swait.ge [sflag:s12], $0x1400  }
0x38: {  	[sflag:s12] =	ssyncset.done $0x0  }
0x39: {  	s0 =	simm.s32 $0xF0;
	[sflag:s12] =	ssyncadd.s32 $0xFFFFEC00  }
0x3a: {  	[tilespmem:s18], [sflag:$0x2] =	stream.indirect.gather [hbm4b:s2+s16], $0x80, s0, s16, $0xb8;
	[tilespmem:$0x1F300] =	vst v63  }
0x3b: {  	_ =	swait.ge [sflag:s28], $0x1400  }
0x3c: {  	[sflag:s28] =	ssyncset.done $0x0  }
0x3d: {  	s0 =	simm.s32 $0x27D0;
	[sflag:s28] =	ssyncadd.s32 $0xFFFFEC00  }
0x3e: {  	[spmem:s3] =	stream.indirect.scatter.add.f32 [tilespmem:s20], [sflag:$0x6], $0x80, s0, s16, $0xb8;
	[tilespmem:$0x1F300] =	vst v63  }
0x3f: {  	_ =	swait.ge [sflag:s12], $0x1400  }
0x40: {  	[sflag:s12] =	ssyncset.done $0x0  }
0x41: {  	s0 =	simm.s32 $0x118;
	[sflag:s12] =	ssyncadd.s32 $0xFFFFEC00  }
0x42: {  	[tilespmem:s20], [sflag:$0x3] =	stream.indirect.gather [hbm4b:s2+s16], $0x80, s0, s16, $0xb8;
	[tilespmem:$0x1F300] =	vst v63  }
0x43: {  	_ =	swait.ge [sflag:s29], $0x1400  }
0x44: {  	[sflag:s29] =	ssyncset.done $0x0  }
0x45: {  	s0 =	simm.s32 $0x27F8;
	[sflag:s29] =	ssyncadd.s32 $0xFFFFEC00  }
0x46: {  	[spmem:s3] =	stream.indirect.scatter.add.f32 [tilespmem:s22], [sflag:$0x6], $0x80, s0, s16, $0xb8;
	[tilespmem:$0x1F300] =	vst v63  }
0x47: {  	_ =	swait.ge [sflag:s12], $0x1400  }
0x48: {  	[sflag:s12] =	ssyncset.done $0x0  }
0x49: {  	s0 =	simm.s32 $0x140;
	[sflag:s12] =	ssyncadd.s32 $0xFFFFEC00  }
0x4a: {  	[tilespmem:s22], [sflag:$0x4] =	stream.indirect.gather [hbm4b:s2+s16], $0x80, s0, s16, $0xb8;
	[tilespmem:$0x1F300] =	vst v63  }
0x4b: {  	_ =	swait.ge [sflag:s30], $0x1400  }
0x4c: {  	[sflag:s30] =	ssyncset.done $0x0  }
0x4d: {  	s0 =	simm.s32 $0x2820;
	[sflag:s30] =	ssyncadd.s32 $0xFFFFEC00  }
0x4e: {  	[spmem:s3] =	stream.indirect.scatter.add.f32 [tilespmem:s24], [sflag:$0x6], $0x80, s0, s16, $0xb8;
	[tilespmem:$0x1F300] =	vst v63  }
0x4f: {  	_ =	swait.ge [sflag:s12], $0x1400  }
0x50: {  	[sflag:s12] =	ssyncset.done $0x0  }
0x51: {  	s31 =	simm.s32 $0x168;
	s23 =	simm.s32 $0x320;
	[sflag:s12] =	ssyncadd.s32 $0xFFFFEC00  }
.LBB2_2:
0x52: {  	[tilespmem:s24], [sflag:$0x5] =	stream.indirect.gather [hbm4b:s2+s16], $0x80, s31, s16, $0xb8;
	[tilespmem:$0x1F300] =	vst v63  }
0x53: {  	s31 =	smov.u32 s23  }
0x54: {  	p0 =	sne.s32 s23, $0x9600;
	s23 =	sadd.s32 $0x320, s23;
	_ =	swait.ge [sflag:s25], $0x1400  }
0x55: {  	s31 =	sshra.s32 s31, $0x2;
	[sflag:s25] =	ssyncset.done $0x0  }
0x56: {  	s0 =	sadd.s32 $0x2780, s31;
	[sflag:s25] =	ssyncadd.s32 $0xFFFFEC00  }
0x57: {  	[spmem:s3] =	stream.indirect.scatter.add.f32 [tilespmem:s17], [sflag:$0x6], $0x80, s0, s16, $0xb8;
	[tilespmem:$0x1F300] =	vst v63  }
0x58: {  	_ =	swait.ge [sflag:s12], $0x1400  }
0x59: {  	[sflag:s12] =	ssyncset.done $0x0  }
0x5a: {  	s0 =	sadd.s32 $0xC8, s31;
	[sflag:s12] =	ssyncadd.s32 $0xFFFFEC00  }
0x5b: {  	[tilespmem:s17], [sflag:$0x1] =	stream.indirect.gather [hbm4b:s2+s16], $0x80, s0, s16, $0xb8;
	[tilespmem:$0x1F300] =	vst v63  }
0x5c: {  	_ =	swait.ge [sflag:s26], $0x1400  }
0x5d: {  	[sflag:s26] =	ssyncset.done $0x0  }
0x5e: {  	s0 =	sadd.s32 $0x27A8, s31;
	[sflag:s26] =	ssyncadd.s32 $0xFFFFEC00  }
0x5f: {  	[spmem:s3] =	stream.indirect.scatter.add.f32 [tilespmem:s18], [sflag:$0x6], $0x80, s0, s16, $0xb8;
	[tilespmem:$0x1F300] =	vst v63  }
0x60: {  	_ =	swait.ge [sflag:s12], $0x1400  }
0x61: {  	[sflag:s12] =	ssyncset.done $0x0  }
0x62: {  	s0 =	sadd.s32 $0xF0, s31;
	[sflag:s12] =	ssyncadd.s32 $0xFFFFEC00  }
0x63: {  	[tilespmem:s18], [sflag:$0x2] =	stream.indirect.gather [hbm4b:s2+s16], $0x80, s0, s16, $0xb8;
	[tilespmem:$0x1F300] =	vst v63  }
0x64: {  	_ =	swait.ge [sflag:s28], $0x1400  }
0x65: {  	[sflag:s28] =	ssyncset.done $0x0  }
0x66: {  	s0 =	sadd.s32 $0x27D0, s31;
	[sflag:s28] =	ssyncadd.s32 $0xFFFFEC00  }
0x67: {  	[spmem:s3] =	stream.indirect.scatter.add.f32 [tilespmem:s20], [sflag:$0x6], $0x80, s0, s16, $0xb8;
	[tilespmem:$0x1F300] =	vst v63  }
0x68: {  	_ =	swait.ge [sflag:s12], $0x1400  }
0x69: {  	[sflag:s12] =	ssyncset.done $0x0  }
0x6a: {  	s0 =	sadd.s32 $0x118, s31;
	[sflag:s12] =	ssyncadd.s32 $0xFFFFEC00  }
0x6b: {  	[tilespmem:s20], [sflag:$0x3] =	stream.indirect.gather [hbm4b:s2+s16], $0x80, s0, s16, $0xb8;
	[tilespmem:$0x1F300] =	vst v63  }
0x6c: {  	_ =	swait.ge [sflag:s29], $0x1400  }
0x6d: {  	[sflag:s29] =	ssyncset.done $0x0  }
0x6e: {  	s0 =	sadd.s32 $0x27F8, s31;
	[sflag:s29] =	ssyncadd.s32 $0xFFFFEC00  }
0x6f: {  	[spmem:s3] =	stream.indirect.scatter.add.f32 [tilespmem:s22], [sflag:$0x6], $0x80, s0, s16, $0xb8;
	[tilespmem:$0x1F300] =	vst v63  }
0x70: {  	_ =	swait.ge [sflag:s12], $0x1400  }
0x71: {  	[sflag:s12] =	ssyncset.done $0x0  }
0x72: {  	s0 =	sadd.s32 $0x140, s31;
	[sflag:s12] =	ssyncadd.s32 $0xFFFFEC00  }
0x73: {  	[tilespmem:s22], [sflag:$0x4] =	stream.indirect.gather [hbm4b:s2+s16], $0x80, s0, s16, $0xb8;
	[tilespmem:$0x1F300] =	vst v63  }
0x74: {  	_ =	swait.ge [sflag:s30], $0x1400  }
0x75: {  	[sflag:s30] =	ssyncset.done $0x0  }
.Ltmp0:
0x76: {  	s0 =	sadd.s32 $0x2820, s31;
	[sflag:s30] =	ssyncadd.s32 $0xFFFFEC00;
	(pc) =	sbr.rel @p0 .LBB2_2-.Ltmp0, $4  }
0x77: {  	[spmem:s3] =	stream.indirect.scatter.add.f32 [tilespmem:s24], [sflag:$0x6], $0x80, s0, s16, $0xb8;
	[tilespmem:$0x1F300] =	vst v63  }
0x78: {  	_ =	swait.ge [sflag:s12], $0x1400  }
0x79: {  	[sflag:s12] =	ssyncset.done $0x0  }
0x7a: {  	s31 =	sadd.s32 $0x168, s31;
	[sflag:s12] =	ssyncadd.s32 $0xFFFFEC00  }
0x7b: {  	[tilespmem:s24], [sflag:$0x5] =	stream.indirect.gather [hbm4b:s2+s16], $0x80, s31, s16, $0xb8;
	[tilespmem:$0x1F300] =	vst v63  }
0x7c: {  	_ =	swait.ge [sflag:s25], $0x1400  }
0x7d: {  	[sflag:s25] =	ssyncset.done $0x0  }
0x7e: {  	s0 =	simm.s32 $0x4DC8;
	[sflag:s25] =	ssyncadd.s32 $0xFFFFEC00  }
0x7f: {  	[spmem:s3] =	stream.indirect.scatter.add.f32 [tilespmem:s17], [sflag:$0x6], $0x80, s0, s16, $0xb8;
	[tilespmem:$0x1F300] =	vst v63  }
0x80: {  	_ =	swait.ge [sflag:s12], $0x1400  }
0x81: {  	[sflag:s12] =	ssyncset.done $0x0  }
0x82: {  	[sflag:s12] =	ssyncadd.s32 $0xFFFFEC00  }
0x83: {  	_ =	swait.ge [sflag:s26], $0x1400  }
0x84: {  	[sflag:s26] =	ssyncset.done $0x0  }
0x85: {  	s31 =	simm.s32 $0x4DF0;
	[sflag:s26] =	ssyncadd.s32 $0xFFFFEC00  }
0x86: {  	[spmem:s3] =	stream.indirect.scatter.add.f32 [tilespmem:s18], [sflag:$0x6], $0x80, s31, s16, $0xb8;
	[tilespmem:$0x1F300] =	vst v63  }
0x87: {  	_ =	swait.ge [sflag:s12], $0x1400  }
0x88: {  	[sflag:s12] =	ssyncset.done $0x0  }
0x89: {  	[sflag:s12] =	ssyncadd.s32 $0xFFFFEC00  }
0x8a: {  	_ =	swait.ge [sflag:s28], $0x1400  }
0x8b: {  	[sflag:s28] =	ssyncset.done $0x0  }
0x8c: {  	[sflag:s28] =	ssyncadd.s32 $0xFFFFEC00  }
0x8d: {  	[spmem:s3] =	stream.indirect.scatter.add.f32 [tilespmem:s20], [sflag:$0x6], $0x80, s1, s16, $0xb8;
	[tilespmem:$0x1F300] =	vst v63  }
0x8e: {  	_ =	swait.ge [sflag:s12], $0x1400  }
0x8f: {  	[sflag:s12] =	ssyncset.done $0x0  }
0x90: {  	[sflag:s12] =	ssyncadd.s32 $0xFFFFEC00  }
0x91: {  	_ =	swait.ge [sflag:s29], $0x1400  }
0x92: {  	[sflag:s29] =	ssyncset.done $0x0  }
0x93: {  	[sflag:s29] =	ssyncadd.s32 $0xFFFFEC00  }
0x94: {  	[spmem:s3] =	stream.indirect.scatter.add.f32 [tilespmem:s22], [sflag:$0x6], $0x80, s15, s16, $0xb8;
	[tilespmem:$0x1F300] =	vst v63  }
0x95: {  	_ =	swait.ge [sflag:s12], $0x1400  }
0x96: {  	[sflag:s12] =	ssyncset.done $0x0  }
0x97: {  	[sflag:s12] =	ssyncadd.s32 $0xFFFFEC00  }
0x98: {  	_ =	swait.ge [sflag:s30], $0x1400  }
0x99: {  	[sflag:s30] =	ssyncset.done $0x0  }
0x9a: {  	[sflag:s30] =	ssyncadd.s32 $0xFFFFEC00  }
0x9b: {  	[spmem:s3] =	stream.indirect.scatter.add.f32 [tilespmem:s24], [sflag:$0x6], $0x80, s19, s16, $0xb8;
	[tilespmem:$0x1F300] =	vst v63  }
0x9c: {  	_ =	swait.ge [sflag:s12], $0x1400  }
0x9d: {  	s21 =	sadd.s32 $0x1, s21;
	[sflag:s12] =	ssyncset.done $0x0  }
0x9e: {  	p0 =	sne.s32 s21, s10;
	[sflag:s12] =	ssyncadd.s32 $0xFFFFEC00  }
.Ltmp1:
0x9f: {  	[bflag:$0x0] =	sbarrier.arrive $0xFFFF;
	(pc) =	sbr.rel @p0 .LBB2_1-.Ltmp1, $4  }
0xa0: {  	[hbm:s9], [sflag:s6] =	dma.local [spmem:s11], $0x2800  }
0xa1: {  	_ =	swait.ge [sflag:s12], $0x2800  }
0xa2: {  	[sflag:s12] =	ssyncset.done $0x0  }
0xa3: {  	[sflag:s12] =	ssyncadd.s32 $0xFFFFD800  }
0xa4: {  	_ =	sfence.sel $0x180000  }
0xa5: {  	[bflag:$0x0] =	sbarrier.arrive $0xFFFF  }
0xa6: {  	_ =	strace $0x9000004A  }
0xa7: {  	s0 =	stileid.u32;
	[bflag:$0x2] =	sbarrier.arrive $0xFFFF  }
0xa8: {  	p0 =	sne.s32 s0, $0x0;
	s0 =	rddreg [dreg:$0x3]  }
0xa9: {  	s0 =	sadd.s32 @!p0 $0x100000, s0  }
0xaa: {  	[sflag:s0] =	ssyncadd.tile.s32 @!p0 $0x1;
	_ =	shalt  }
.Lfunc_end2:
_tile_overlayer_lowered:
.L_overlay_start_2:
0xab: {  	(tag) =	ssettag $0x2  }
0xac: {  	s0 =	rddreg [dreg:$0x0];
	s2 =	stileid.u32  }
0xad: {  	s1 =	rddreg [dreg:$0x1];
	p0 =	sne.s32 s2, $0x0  }
0xae: {  	s3 =	rddreg [dreg:$0x2];
	[bflag:$0x3] =	sbarrier.arrive $0xFFFF;
	s2 =	simm.s32 @!p0 $0x1C06  }
0xaf: {  	[timem:s3], [sflag:s2] =	dma.local @!p0 [hbm:s0], s1  }
0xb0: {  	s0 =	simm.s32 @!p0 $0x6  }
0xb1: {  	_ =	swait.ge @!p0 [sflag:s0], s1  }
0xb2: {  	s1 =	ssub.s32 @!p0 $0x0, s1;
	[sflag:s0] =	ssyncset.done @!p0 $0x0  }
0xb3: {  	[sflag:s0] =	ssyncadd.s32 @!p0 s1  }
0xb4: {  	[bflag:$0x3] =	sbarrier.arrive $0xFFFF  }
0xb5: {  	_ =	shalt  }

</sc_bundles>
